<compile_context>
chip_gen: v7x
topology: tpu7x:2x2x1
jax: 0.10.2.dev20260603
libtpu: 0.0.44.dev20260713+nightly
codegen_flags: <defaults>
</compile_context>

<pallas_src>
import jax
import jax.numpy as jnp
from jax import lax
from jax.experimental import pallas as pl
from jax.experimental.pallas import tpu as pltpu
from jax.experimental.pallas import tpu_sc as plsc

B, C, N, K = 16, 3, 4096, 64
R = B * N
NW = 32
ROWS_PER_W = R // NW
G = 128
NGROUPS = ROWS_PER_W // G
F = 30


def _rsqrt(v):
    i = plsc.bitcast(v, jnp.int32)
    i = jnp.full((16,), 0x5F3759DF, jnp.int32) - lax.shift_right_arithmetic(
        i, jnp.full((16,), 1, jnp.int32))
    y = plsc.bitcast(i, jnp.float32)
    half = jnp.full((16,), 0.5, jnp.float32)
    three_half = jnp.full((16,), 1.5, jnp.float32)
    for _ in range(3):
        y = y * (three_half - half * v * y * y)
    return y


def _sc_body(gx_hbm, nx_hbm, out_hbm, xyzb, cb, ob, accx, accy, accz,
             accn, sem, osem):
    cid = lax.axis_index("c")
    sid = lax.axis_index("s")
    wid = sid * 2 + cid
    b = wid // 2
    n0 = (wid % 2) * ROWS_PER_W
    iota = lax.iota(jnp.int32, 16)
    ones = jnp.full((16,), 1.0, jnp.float32)
    zeros = jnp.zeros((16,), jnp.float32)
    abase = iota + jnp.full((16,), 112, jnp.int32)
    c25 = jnp.full((16,), 25, jnp.int32)
    c26 = jnp.full((16,), 26, jnp.int32)
    c27 = jnp.full((16,), 27, jnp.int32)
    m64 = jnp.full((16,), 64, jnp.int32)
    m32 = jnp.full((16,), 32, jnp.int32)
    m16 = jnp.full((16,), 16, jnp.int32)
    m63 = jnp.full((16,), 63, jnp.int32)
    i1 = jnp.full((16,), 1, jnp.int32)

    def group_body(g, _):
        nrow = n0 + g * G
        h0 = pltpu.async_copy(gx_hbm.at[b, :, pl.ds(nrow, G), :], xyzb, sem)
        h1 = pltpu.async_copy(nx_hbm.at[b, pl.ds(nrow, G), :], cb, sem)
        h0.wait()
        h1.wait()
        @pl.when(g > 0)
        def _():
            pltpu.make_async_copy(
                ob, out_hbm.at[b, pl.ds(nrow, G), :], osem).wait()

        def sub_body(s, _):
            r = s * 16 + iota
            rb = r * jnp.full((16,), 128, jnp.int32)
            zi = jnp.zeros((16,), jnp.int32)
            poy = jnp.full((16,), G * 128, jnp.int32)
            poz = jnp.full((16,), 2 * G * 128, jnp.int32)

            for ref in (accx, accy, accz, accn):
                for i in range(8):
                    ref[pl.ds(i * 16, 16)] = zeros

            def point_step(kv, sxx, syy, szz):
                idx = rb + kv
                x = plsc.load_gather(xyzb, [zi, zi, idx])
                y = plsc.load_gather(xyzb, [zi, zi, idx + poy])
                z = plsc.load_gather(xyzb, [zi, zi, idx + poz])
                sx = lax.shift_right_logical(
                    plsc.bitcast(x, jnp.int32), c25) & m64
                sy = lax.shift_right_logical(
                    plsc.bitcast(y, jnp.int32), c26) & m32
                sz = lax.shift_right_logical(
                    plsc.bitcast(z, jnp.int32), c27) & m16
                a = abase - (sx + sy + sz)
                plsc.addupdate_scatter(accx, [a], x)
                plsc.addupdate_scatter(accy, [a], y)
                plsc.addupdate_scatter(accz, [a], z)
                plsc.addupdate_scatter(accn, [a], ones)
                return ((kv + i1) & m63, sxx + x * x, syy + y * y,
                        szz + z * z)

            UNROLL = 8
            def k_body(_, carry):
                kv, sxx, syy, szz = carry
                for _ in range(UNROLL):
                    kv, sxx, syy, szz = point_step(kv, sxx, syy, szz)
                return kv, sxx, syy, szz

            _, sxx, syy, szz = lax.fori_loop(
                0, K // UNROLL, k_body, (iota, zeros, zeros, zeros))

            tot = [zeros, zeros, zeros]
            for o in range(8):
                cnt = accn[pl.ds(o * 16, 16)]
                inv = ones / jnp.maximum(cnt, ones)
                for c, ref in enumerate((accx, accy, accz)):
                    v = ref[pl.ds(o * 16, 16)]
                    tot[c] = tot[c] + v
                    col = rb + jnp.full((16,), 6 + o * 3 + c, jnp.int32)
                    plsc.store_scatter(ob, [zi, col], v * inv)
            sx, sy, sz = tot

            inv_k = jnp.full((16,), 1.0 / K, jnp.float32)
            inv_km1 = jnp.full((16,), 1.0 / (K - 1), jnp.float32)
            tiny = jnp.full((16,), 1e-30, jnp.float32)
            for c, (s1, s2) in enumerate(((sx, sxx), (sy, syy), (sz, szz))):
                var = (s2 - s1 * (s1 * inv_k)) * inv_km1
                var = jnp.maximum(var, zeros)
                std = var * _rsqrt(jnp.maximum(var, tiny))
                plsc.store_scatter(
                    ob, [zi, rb + jnp.full((16,), c, jnp.int32)], std)

            for c in range(3):
                v = plsc.load_gather(
                    cb, [zi, rb + jnp.full((16,), c, jnp.int32)])
                plsc.store_scatter(
                    ob, [zi, rb + jnp.full((16,), 3 + c, jnp.int32)], v)
            return 0

        lax.fori_loop(0, G // 16, sub_body, 0)
        pltpu.async_copy(ob, out_hbm.at[b, pl.ds(nrow, G), :], osem)
        return 0

    lax.fori_loop(0, NGROUPS, group_body, 0)
    pltpu.make_async_copy(
        ob, out_hbm.at[b, pl.ds(n0, G), :], osem).wait()


@jax.jit
def kernel(group_xyz, new_xyz):
    mesh = plsc.VectorSubcoreMesh(core_axis_name="c", subcore_axis_name="s")
    run = pl.kernel(
        _sc_body,
        out_type=jax.ShapeDtypeStruct((B, N, F), jnp.float32),
        mesh=mesh,
        compiler_params=pltpu.CompilerParams(needs_layout_passes=False),
        scratch_types=[
            pltpu.VMEM((C, G, K), jnp.float32),
            pltpu.VMEM((G, 3), jnp.float32),
            pltpu.VMEM((G, F), jnp.float32),
            pltpu.VMEM((128,), jnp.float32),
            pltpu.VMEM((128,), jnp.float32),
            pltpu.VMEM((128,), jnp.float32),
            pltpu.VMEM((128,), jnp.float32),
            pltpu.SemaphoreType.DMA,
            pltpu.SemaphoreType.DMA,
        ],
    )
    return run(group_xyz, new_xyz)

# --- scband reference (transcript-rebuilt; emitter-appended) ---
"""Pipeline reference for scband-point-hop-61392262529219 (READ-ONLY COPY).

The authoritative reference and input builder live on the scoring server;
editing this copy changes nothing except your own understanding.
"""

import jax, jax.numpy as jnp
import numpy as np


def setup_inputs(seed: int = 0) -> dict:
    key = jax.random.key(seed)
    k1, k2 = jax.random.split(key)
    group_xyz = jax.random.normal(k1, (16, 3, 4096, 64), dtype=jnp.float32)
    new_xyz = jax.random.normal(k2, (16, 4096, 3), dtype=jnp.float32)
    return {"group_xyz": group_xyz, "new_xyz": new_xyz}


def reference(group_xyz, new_xyz):
    # permute [B, C, N, K] -> [B, N, K, C]
    gx = jnp.transpose(group_xyz, (0, 2, 3, 1))
    B, N, K, C = gx.shape
    X = gx.reshape(B * N, K, C)
    # torch.std uses unbiased estimator (ddof=1)
    std_xyz = jnp.std(gx, axis=2, ddof=1).reshape(B * N, 3)
    center = new_xyz.reshape(B * N, 3)
    # octant index per neighbor point
    idx = ((X[:, :, 0] > 0).astype(jnp.int32) * 4
           + (X[:, :, 1] > 0).astype(jnp.int32) * 2
           + (X[:, :, 2] > 0).astype(jnp.int32))
    # scatter_mean over dim=1 into 8 octant bins per row (zeros for empty bins)
    rows = jnp.arange(B * N, dtype=jnp.int32)[:, None] * 8
    flat_idx = (idx + rows).reshape(-1)
    flat_X = X.reshape(-1, 3)
    sums = jax.ops.segment_sum(flat_X, flat_idx, num_segments=B * N * 8)
    counts = jax.ops.segment_sum(jnp.ones((flat_X.shape[0],), dtype=flat_X.dtype),
                                 flat_idx, num_segments=B * N * 8)
    means = sums / jnp.maximum(counts, 1.0)[:, None]
    current_features = means.reshape(B * N, 24)
    features = jnp.concatenate([std_xyz, center, current_features], axis=-1)
    return features.reshape(B, N, -1)

if __name__ == "__main__":
    import jax
    _d = setup_inputs()
    print(jax.jit(kernel)(*tuple(_d.values())))

</pallas_src>

<mosaic_0001>
#map = affine_map<(d0, d1) -> (0, 0, 0, 0)>
#map1 = affine_map<(d0, d1) -> (0, 0, 0)>
module attributes {stable_mosaic.version = 14 : i64} {
  func.func @_sc_body(%arg0: i32, %arg1: i32, %arg2: memref<16x3x4096x64xf32, #tpu.memory_space<hbm>>, %arg3: memref<16x4096x3xf32, #tpu.memory_space<hbm>>, %arg4: memref<16x4096x30xf32, #tpu.memory_space<hbm>>, %arg5: memref<3x128x64xf32, #tpu.memory_space<vmem>>, %arg6: memref<128x3xf32, #tpu.memory_space<vmem>>, %arg7: memref<128x30xf32, #tpu.memory_space<vmem>>, %arg8: memref<128xf32, #tpu.memory_space<vmem>>, %arg9: memref<128xf32, #tpu.memory_space<vmem>>, %arg10: memref<128xf32, #tpu.memory_space<vmem>>, %arg11: memref<128xf32, #tpu.memory_space<vmem>>, %arg12: memref<!tpu.dma_semaphore, #tpu.memory_space<semaphore_mem>>, %arg13: memref<!tpu.dma_semaphore, #tpu.memory_space<semaphore_mem>>) attributes {dimension_semantics = [#tpu.dimension_semantics<core_parallel>, #tpu.dimension_semantics<subcore_parallel>], iteration_bounds = array<i64: 2, 16>, scalar_prefetch = 0 : i64, scratch_operands = 9 : i64, tpu.core_type = #tpu.core_type<sc_vector_subcore>, window_params = [{transform_indices = #map}, {transform_indices = #map1}, {transform_indices = #map1}]} {
    %mul3A = arith.constant 2 : i32
    %mul3A_0 = arith.muli %arg1, %mul3A : i32
    %add3A = arith.addi %mul3A_0, %arg0 : i32
    %jit3A = arith.constant 2 : i32
    %div3A = arith.divsi %add3A, %jit3A : i32
    %sign3A = arith.constant 0 : i32
    %sign3A_1 = arith.cmpi sgt, %add3A, %sign3A : i32
    %sign3A_2 = arith.extui %sign3A_1 : i1 to i32
    %sign3A_3 = arith.constant 0 : i32
    %sign3A_4 = arith.cmpi slt, %add3A, %sign3A_3 : i32
    %sign3A_5 = arith.extui %sign3A_4 : i1 to i32
    %sign3A_6 = arith.subi %sign3A_2, %sign3A_5 : i32
    %sign3A_7 = arith.constant 0 : i32
    %sign3A_8 = arith.cmpi sgt, %jit3A, %sign3A_7 : i32
    %sign3A_9 = arith.extui %sign3A_8 : i1 to i32
    %sign3A_10 = arith.constant 0 : i32
    %sign3A_11 = arith.cmpi slt, %jit3A, %sign3A_10 : i32
    %sign3A_12 = arith.extui %sign3A_11 : i1 to i32
    %sign3A_13 = arith.subi %sign3A_9, %sign3A_12 : i32
    %ne3A = arith.cmpi ne, %sign3A_6, %sign3A_13 : i32
    %rem3A = arith.remsi %add3A, %jit3A : i32
    %ne3A_14 = arith.constant 0 : i32
    %ne3A_15 = arith.cmpi ne, %rem3A, %ne3A_14 : i32
    %and3A = arith.andi %ne3A, %ne3A_15 : i1
    %sub3A = arith.constant 1 : i32
    %sub3A_16 = arith.subi %div3A, %sub3A : i32
    %select_n3A = arith.select %and3A, %sub3A_16, %div3A : i32
    %jit3A_17 = arith.constant 2 : i32
    %eq3A = arith.constant 0 : i32
    %eq3A_18 = arith.cmpi eq, %jit3A_17, %eq3A : i32
    %jit3A_19 = arith.constant 1 : i32
    %select_n3A_20 = arith.select %eq3A_18, %jit3A_19, %jit3A_17 : i32
    %rem3A_21 = arith.remsi %add3A, %select_n3A_20 : i32
    %ne3A_22 = arith.constant 0 : i32
    %ne3A_23 = arith.cmpi ne, %rem3A_21, %ne3A_22 : i32
    %lt3A = arith.constant 0 : i32
    %lt3A_24 = arith.cmpi slt, %rem3A_21, %lt3A : i32
    %lt3A_25 = arith.constant 0 : i32
    %lt3A_26 = arith.cmpi slt, %select_n3A_20, %lt3A_25 : i32
    %ne3A_27 = arith.xori %lt3A_24, %lt3A_26 : i1
    %and3A_28 = arith.andi %ne3A_27, %ne3A_23 : i1
    %add3A_29 = arith.addi %rem3A_21, %select_n3A_20 : i32
    %select_n3A_30 = arith.select %and3A_28, %add3A_29, %rem3A_21 : i32
    %mul3A_31 = arith.constant 2048 : i32
    %mul3A_32 = arith.muli %select_n3A_30, %mul3A_31 : i32
    %iota3A = tpu.iota {dimensions = array<i32: 0>} : vector<16xi32>
    %broadcast_in_dim3A = arith.constant 1.000000e+00 : f32
    %broadcast_in_dim3A_33 = vector.broadcast %broadcast_in_dim3A : f32 to vector<16xf32>
    %broadcast_in_dim3A_34 = arith.constant 0.000000e+00 : f32
    %broadcast_in_dim3A_35 = vector.broadcast %broadcast_in_dim3A_34 : f32 to vector<16xf32>
    %broadcast_in_dim3A_36 = arith.constant 112 : i32
    %broadcast_in_dim3A_37 = vector.broadcast %broadcast_in_dim3A_36 : i32 to vector<16xi32>
    %add3A_38 = arith.addi %iota3A, %broadcast_in_dim3A_37 : vector<16xi32>
    %broadcast_in_dim3A_39 = arith.constant 25 : i32
    %broadcast_in_dim3A_40 = vector.broadcast %broadcast_in_dim3A_39 : i32 to vector<16xi32>
    %broadcast_in_dim3A_41 = arith.constant 26 : i32
    %broadcast_in_dim3A_42 = vector.broadcast %broadcast_in_dim3A_41 : i32 to vector<16xi32>
    %broadcast_in_dim3A_43 = arith.constant 27 : i32
    %broadcast_in_dim3A_44 = vector.broadcast %broadcast_in_dim3A_43 : i32 to vector<16xi32>
    %broadcast_in_dim3A_45 = arith.constant 64 : i32
    %broadcast_in_dim3A_46 = vector.broadcast %broadcast_in_dim3A_45 : i32 to vector<16xi32>
    %broadcast_in_dim3A_47 = arith.constant 32 : i32
    %broadcast_in_dim3A_48 = vector.broadcast %broadcast_in_dim3A_47 : i32 to vector<16xi32>
    %broadcast_in_dim3A_49 = arith.constant 16 : i32
    %broadcast_in_dim3A_50 = vector.broadcast %broadcast_in_dim3A_49 : i32 to vector<16xi32>
    %broadcast_in_dim3A_51 = arith.constant 63 : i32
    %broadcast_in_dim3A_52 = vector.broadcast %broadcast_in_dim3A_51 : i32 to vector<16xi32>
    %broadcast_in_dim3A_53 = arith.constant 1 : i32
    %broadcast_in_dim3A_54 = vector.broadcast %broadcast_in_dim3A_53 : i32 to vector<16xi32>
    %scan3A = arith.constant 0 : i32
    %scan3A_55 = arith.constant 0 : i32
    %scan3A_56 = arith.constant 16 : i32
    %scan3A_57 = arith.addi %scan3A_55, %scan3A_56 : i32
    %scan3A_58 = arith.constant 1 : i32
    %scan3A_59 = scf.for %scan3A_66 = %scan3A_55 to %scan3A_57 step %scan3A_58 iter_args(%scan3A_67 = %scan3A) -> (i32)  : i32 {
      %mul3A_68 = arith.constant 128 : i32
      %mul3A_69 = arith.muli %scan3A_66, %mul3A_68 : i32
      %add3A_70 = arith.addi %mul3A_32, %mul3A_69 : i32
      %dma_start3A = arith.constant 0 : i32
      %dma_start3A_71 = arith.constant 0 : i32
      %dma_start3A_72 = tpu.memref_slice %arg2[%select_n3A, %dma_start3A, %add3A_70, %dma_start3A_71] : memref<16x3x4096x64xf32, #tpu.memory_space<hbm>> -> memref<1x3x128x64xf32, #tpu.memory_space<hbm>>
      %dma_start3A_73 = tpu.memref_squeeze %dma_start3A_72 : memref<1x3x128x64xf32, #tpu.memory_space<hbm>> -> memref<3x128x64xf32, #tpu.memory_space<hbm>>
      %dma_start3A_74 = arith.constant 0 : i32
      %dma_start3A_75 = arith.constant 0 : i32
      %dma_start3A_76 = tpu.memref_slice %arg2[%select_n3A, %dma_start3A_74, %add3A_70, %dma_start3A_75] : memref<16x3x4096x64xf32, #tpu.memory_space<hbm>> -> memref<1x3x128x64xf32, #tpu.memory_space<hbm>>
      %dma_start3A_77 = tpu.memref_squeeze %dma_start3A_76 : memref<1x3x128x64xf32, #tpu.memory_space<hbm>> -> memref<3x128x64xf32, #tpu.memory_space<hbm>>
      tpu.enqueue_dma source(%dma_start3A_77 : memref<3x128x64xf32, #tpu.memory_space<hbm>>) target(%arg5 : memref<3x128x64xf32, #tpu.memory_space<vmem>>) target_semaphore(%arg12 : memref<!tpu.dma_semaphore, #tpu.memory_space<semaphore_mem>>)
      %dma_start3A_78 = arith.constant 0 : i32
      %dma_start3A_79 = tpu.memref_slice %arg3[%select_n3A, %add3A_70, %dma_start3A_78] : memref<16x4096x3xf32, #tpu.memory_space<hbm>> -> memref<1x128x3xf32, #tpu.memory_space<hbm>>
      %dma_start3A_80 = tpu.memref_squeeze %dma_start3A_79 : memref<1x128x3xf32, #tpu.memory_space<hbm>> -> memref<128x3xf32, #tpu.memory_space<hbm>>
      %dma_start3A_81 = arith.constant 0 : i32
      %dma_start3A_82 = tpu.memref_slice %arg3[%select_n3A, %add3A_70, %dma_start3A_81] : memref<16x4096x3xf32, #tpu.memory_space<hbm>> -> memref<1x128x3xf32, #tpu.memory_space<hbm>>
      %dma_start3A_83 = tpu.memref_squeeze %dma_start3A_82 : memref<1x128x3xf32, #tpu.memory_space<hbm>> -> memref<128x3xf32, #tpu.memory_space<hbm>>
      tpu.enqueue_dma source(%dma_start3A_83 : memref<128x3xf32, #tpu.memory_space<hbm>>) target(%arg6 : memref<128x3xf32, #tpu.memory_space<vmem>>) target_semaphore(%arg12 : memref<!tpu.dma_semaphore, #tpu.memory_space<semaphore_mem>>)
      %dma_wait3A_84 = arith.constant 0 : i32
      %dma_wait3A_85 = arith.constant 0 : i32
      %dma_wait3A_86 = tpu.memref_slice %arg2[%select_n3A, %dma_wait3A_84, %add3A_70, %dma_wait3A_85] : memref<16x3x4096x64xf32, #tpu.memory_space<hbm>> -> memref<1x3x128x64xf32, #tpu.memory_space<hbm>>
      %dma_wait3A_87 = tpu.memref_squeeze %dma_wait3A_86 : memref<1x3x128x64xf32, #tpu.memory_space<hbm>> -> memref<3x128x64xf32, #tpu.memory_space<hbm>>
      %dma_wait3A_88 = arith.constant 0 : i32
      %dma_wait3A_89 = arith.constant 0 : i32
      %dma_wait3A_90 = tpu.memref_slice %arg2[%select_n3A, %dma_wait3A_88, %add3A_70, %dma_wait3A_89] : memref<16x3x4096x64xf32, #tpu.memory_space<hbm>> -> memref<1x3x128x64xf32, #tpu.memory_space<hbm>>
      %dma_wait3A_91 = tpu.memref_squeeze %dma_wait3A_90 : memref<1x3x128x64xf32, #tpu.memory_space<hbm>> -> memref<3x128x64xf32, #tpu.memory_space<hbm>>
      tpu.wait_dma2 semaphore(%arg12 : memref<!tpu.dma_semaphore, #tpu.memory_space<semaphore_mem>>) src(%dma_wait3A_91 : memref<3x128x64xf32, #tpu.memory_space<hbm>>) dst(%arg5 : memref<3x128x64xf32, #tpu.memory_space<vmem>>)
      %dma_wait3A_92 = arith.constant 0 : i32
      %dma_wait3A_93 = tpu.memref_slice %arg3[%select_n3A, %add3A_70, %dma_wait3A_92] : memref<16x4096x3xf32, #tpu.memory_space<hbm>> -> memref<1x128x3xf32, #tpu.memory_space<hbm>>
      %dma_wait3A_94 = tpu.memref_squeeze %dma_wait3A_93 : memref<1x128x3xf32, #tpu.memory_space<hbm>> -> memref<128x3xf32, #tpu.memory_space<hbm>>
      %dma_wait3A_95 = arith.constant 0 : i32
      %dma_wait3A_96 = tpu.memref_slice %arg3[%select_n3A, %add3A_70, %dma_wait3A_95] : memref<16x4096x3xf32, #tpu.memory_space<hbm>> -> memref<1x128x3xf32, #tpu.memory_space<hbm>>
      %dma_wait3A_97 = tpu.memref_squeeze %dma_wait3A_96 : memref<1x128x3xf32, #tpu.memory_space<hbm>> -> memref<128x3xf32, #tpu.memory_space<hbm>>
      tpu.wait_dma2 semaphore(%arg12 : memref<!tpu.dma_semaphore, #tpu.memory_space<semaphore_mem>>) src(%dma_wait3A_97 : memref<128x3xf32, #tpu.memory_space<hbm>>) dst(%arg6 : memref<128x3xf32, #tpu.memory_space<vmem>>)
      %gt3A = arith.constant 0 : i32
      %gt3A_98 = arith.cmpi sgt, %scan3A_66, %gt3A : i32
      %convert_element_type3A = arith.extui %gt3A_98 : i1 to i32
      %cond3A = arith.constant 0 : i32
      %cond3A_99 = arith.cmpi ne, %convert_element_type3A, %cond3A : i32
      scf.if %cond3A_99 {
        %dma_wait3A_114 = arith.constant 0 : i32
        %dma_wait3A_115 = tpu.memref_slice %arg4[%select_n3A, %add3A_70, %dma_wait3A_114] : memref<16x4096x30xf32, #tpu.memory_space<hbm>> -> memref<1x128x30xf32, #tpu.memory_space<hbm>>
        %dma_wait3A_116 = tpu.memref_squeeze %dma_wait3A_115 : memref<1x128x30xf32, #tpu.memory_space<hbm>> -> memref<128x30xf32, #tpu.memory_space<hbm>>
        %dma_wait3A_117 = arith.constant 0 : i32
        %dma_wait3A_118 = tpu.memref_slice %arg4[%select_n3A, %add3A_70, %dma_wait3A_117] : memref<16x4096x30xf32, #tpu.memory_space<hbm>> -> memref<1x128x30xf32, #tpu.memory_space<hbm>>
        %dma_wait3A_119 = tpu.memref_squeeze %dma_wait3A_118 : memref<1x128x30xf32, #tpu.memory_space<hbm>> -> memref<128x30xf32, #tpu.memory_space<hbm>>
        tpu.wait_dma2 semaphore(%arg13 : memref<!tpu.dma_semaphore, #tpu.memory_space<semaphore_mem>>) src(%arg7 : memref<128x30xf32, #tpu.memory_space<vmem>>) dst(%dma_wait3A_119 : memref<128x30xf32, #tpu.memory_space<hbm>>)
      } else {
      }
      %scan3A_100 = arith.constant 0 : i32
      %scan3A_101 = arith.constant 0 : i32
      %scan3A_102 = arith.constant 8 : i32
      %scan3A_103 = arith.addi %scan3A_101, %scan3A_102 : i32
      %scan3A_104 = arith.constant 1 : i32
      %scan3A_105 = scf.for %scan3A_114 = %scan3A_101 to %scan3A_103 step %scan3A_104 iter_args(%scan3A_115 = %scan3A_100) -> (i32)  : i32 {
        %mul3A_116 = arith.constant 16 : i32
        %mul3A_117 = arith.muli %scan3A_114, %mul3A_116 : i32
        %add3A_118 = vector.broadcast %mul3A_117 : i32 to vector<16xi32>
        %add3A_119 = arith.addi %add3A_118, %iota3A : vector<16xi32>
        %broadcast_in_dim3A_120 = arith.constant 128 : i32
        %broadcast_in_dim3A_121 = vector.broadcast %broadcast_in_dim3A_120 : i32 to vector<16xi32>
        %mul3A_122 = arith.muli %add3A_119, %broadcast_in_dim3A_121 : vector<16xi32>
        %broadcast_in_dim3A_123 = arith.constant 0 : i32
        %broadcast_in_dim3A_124 = vector.broadcast %broadcast_in_dim3A_123 : i32 to vector<16xi32>
        %broadcast_in_dim3A_125 = arith.constant 16384 : i32
        %broadcast_in_dim3A_126 = vector.broadcast %broadcast_in_dim3A_125 : i32 to vector<16xi32>
        %broadcast_in_dim3A_127 = arith.constant 32768 : i32
        %broadcast_in_dim3A_128 = vector.broadcast %broadcast_in_dim3A_127 : i32 to vector<16xi32>
        %swap3A = arith.constant 0 : index
        %swap3A_129 = tpu.vector_load %arg8[%swap3A] {strides = array<i32>} : memref<128xf32, #tpu.memory_space<vmem>>, vector<16xf32>,
        tpu.vector_store %arg8[%swap3A], %broadcast_in_dim3A_35 {strides = array<i32>} : memref<128xf32, #tpu.memory_space<vmem>>, vector<16xf32>,
        %swap3A_130 = arith.constant 16 : index
        %swap3A_131 = tpu.vector_load %arg8[%swap3A_130] {strides = array<i32>} : memref<128xf32, #tpu.memory_space<vmem>>, vector<16xf32>,
        tpu.vector_store %arg8[%swap3A_130], %broadcast_in_dim3A_35 {strides = array<i32>} : memref<128xf32, #tpu.memory_space<vmem>>, vector<16xf32>,
        %swap3A_132 = arith.constant 32 : index
        %swap3A_133 = tpu.vector_load %arg8[%swap3A_132] {strides = array<i32>} : memref<128xf32, #tpu.memory_space<vmem>>, vector<16xf32>,
        tpu.vector_store %arg8[%swap3A_132], %broadcast_in_dim3A_35 {strides = array<i32>} : memref<128xf32, #tpu.memory_space<vmem>>, vector<16xf32>,
        %swap3A_134 = arith.constant 48 : index
        %swap3A_135 = tpu.vector_load %arg8[%swap3A_134] {strides = array<i32>} : memref<128xf32, #tpu.memory_space<vmem>>, vector<16xf32>,
        tpu.vector_store %arg8[%swap3A_134], %broadcast_in_dim3A_35 {strides = array<i32>} : memref<128xf32, #tpu.memory_space<vmem>>, vector<16xf32>,
        %swap3A_136 = arith.constant 64 : index
        %swap3A_137 = tpu.vector_load %arg8[%swap3A_136] {strides = array<i32>} : memref<128xf32, #tpu.memory_space<vmem>>, vector<16xf32>,
        tpu.vector_store %arg8[%swap3A_136], %broadcast_in_dim3A_35 {strides = array<i32>} : memref<128xf32, #tpu.memory_space<vmem>>, vector<16xf32>,
        %swap3A_138 = arith.constant 80 : index
        %swap3A_139 = tpu.vector_load %arg8[%swap3A_138] {strides = array<i32>} : memref<128xf32, #tpu.memory_space<vmem>>, vector<16xf32>,
        tpu.vector_store %arg8[%swap3A_138], %broadcast_in_dim3A_35 {strides = array<i32>} : memref<128xf32, #tpu.memory_space<vmem>>, vector<16xf32>,
        %swap3A_140 = arith.constant 96 : index
        %swap3A_141 = tpu.vector_load %arg8[%swap3A_140] {strides = array<i32>} : memref<128xf32, #tpu.memory_space<vmem>>, vector<16xf32>,
        tpu.vector_store %arg8[%swap3A_140], %broadcast_in_dim3A_35 {strides = array<i32>} : memref<128xf32, #tpu.memory_space<vmem>>, vector<16xf32>,
        %swap3A_142 = arith.constant 112 : index
        %swap3A_143 = tpu.vector_load %arg8[%swap3A_142] {strides = array<i32>} : memref<128xf32, #tpu.memory_space<vmem>>, vector<16xf32>,
        tpu.vector_store %arg8[%swap3A_142], %broadcast_in_dim3A_35 {strides = array<i32>} : memref<128xf32, #tpu.memory_space<vmem>>, vector<16xf32>,
        %swap3A_144 = arith.constant 0 : index
        %swap3A_145 = tpu.vector_load %arg9[%swap3A_144] {strides = array<i32>} : memref<128xf32, #tpu.memory_space<vmem>>, vector<16xf32>,
        tpu.vector_store %arg9[%swap3A_144], %broadcast_in_dim3A_35 {strides = array<i32>} : memref<128xf32, #tpu.memory_space<vmem>>, vector<16xf32>,
        %swap3A_146 = arith.constant 16 : index
        %swap3A_147 = tpu.vector_load %arg9[%swap3A_146] {strides = array<i32>} : memref<128xf32, #tpu.memory_space<vmem>>, vector<16xf32>,
        tpu.vector_store %arg9[%swap3A_146], %broadcast_in_dim3A_35 {strides = array<i32>} : memref<128xf32, #tpu.memory_space<vmem>>, vector<16xf32>,
        %swap3A_148 = arith.constant 32 : index
        %swap3A_149 = tpu.vector_load %arg9[%swap3A_148] {strides = array<i32>} : memref<128xf32, #tpu.memory_space<vmem>>, vector<16xf32>,
        tpu.vector_store %arg9[%swap3A_148], %broadcast_in_dim3A_35 {strides = array<i32>} : memref<128xf32, #tpu.memory_space<vmem>>, vector<16xf32>,
        %swap3A_150 = arith.constant 48 : index
        %swap3A_151 = tpu.vector_load %arg9[%swap3A_150] {strides = array<i32>} : memref<128xf32, #tpu.memory_space<vmem>>, vector<16xf32>,
        tpu.vector_store %arg9[%swap3A_150], %broadcast_in_dim3A_35 {strides = array<i32>} : memref<128xf32, #tpu.memory_space<vmem>>, vector<16xf32>,
        %swap3A_152 = arith.constant 64 : index
        %swap3A_153 = tpu.vector_load %arg9[%swap3A_152] {strides = array<i32>} : memref<128xf32, #tpu.memory_space<vmem>>, vector<16xf32>,
        tpu.vector_store %arg9[%swap3A_152], %broadcast_in_dim3A_35 {strides = array<i32>} : memref<128xf32, #tpu.memory_space<vmem>>, vector<16xf32>,
        %swap3A_154 = arith.constant 80 : index
        %swap3A_155 = tpu.vector_load %arg9[%swap3A_154] {strides = array<i32>} : memref<128xf32, #tpu.memory_space<vmem>>, vector<16xf32>,
        tpu.vector_store %arg9[%swap3A_154], %broadcast_in_dim3A_35 {strides = array<i32>} : memref<128xf32, #tpu.memory_space<vmem>>, vector<16xf32>,
        %swap3A_156 = arith.constant 96 : index
        %swap3A_157 = tpu.vector_load %arg9[%swap3A_156] {strides = array<i32>} : memref<128xf32, #tpu.memory_space<vmem>>, vector<16xf32>,
        tpu.vector_store %arg9[%swap3A_156], %broadcast_in_dim3A_35 {strides = array<i32>} : memref<128xf32, #tpu.memory_space<vmem>>, vector<16xf32>,
        %swap3A_158 = arith.constant 112 : index
        %swap3A_159 = tpu.vector_load %arg9[%swap3A_158] {strides = array<i32>} : memref<128xf32, #tpu.memory_space<vmem>>, vector<16xf32>,
        tpu.vector_store %arg9[%swap3A_158], %broadcast_in_dim3A_35 {strides = array<i32>} : memref<128xf32, #tpu.memory_space<vmem>>, vector<16xf32>,
        %swap3A_160 = arith.constant 0 : index
        %swap3A_161 = tpu.vector_load %arg10[%swap3A_160] {strides = array<i32>} : memref<128xf32, #tpu.memory_space<vmem>>, vector<16xf32>,
        tpu.vector_store %arg10[%swap3A_160], %broadcast_in_dim3A_35 {strides = array<i32>} : memref<128xf32, #tpu.memory_space<vmem>>, vector<16xf32>,
        %swap3A_162 = arith.constant 16 : index
        %swap3A_163 = tpu.vector_load %arg10[%swap3A_162] {strides = array<i32>} : memref<128xf32, #tpu.memory_space<vmem>>, vector<16xf32>,
        tpu.vector_store %arg10[%swap3A_162], %broadcast_in_dim3A_35 {strides = array<i32>} : memref<128xf32, #tpu.memory_space<vmem>>, vector<16xf32>,
        %swap3A_164 = arith.constant 32 : index
        %swap3A_165 = tpu.vector_load %arg10[%swap3A_164] {strides = array<i32>} : memref<128xf32, #tpu.memory_space<vmem>>, vector<16xf32>,
        tpu.vector_store %arg10[%swap3A_164], %broadcast_in_dim3A_35 {strides = array<i32>} : memref<128xf32, #tpu.memory_space<vmem>>, vector<16xf32>,
        %swap3A_166 = arith.constant 48 : index
        %swap3A_167 = tpu.vector_load %arg10[%swap3A_166] {strides = array<i32>} : memref<128xf32, #tpu.memory_space<vmem>>, vector<16xf32>,
        tpu.vector_store %arg10[%swap3A_166], %broadcast_in_dim3A_35 {strides = array<i32>} : memref<128xf32, #tpu.memory_space<vmem>>, vector<16xf32>,
        %swap3A_168 = arith.constant 64 : index
        %swap3A_169 = tpu.vector_load %arg10[%swap3A_168] {strides = array<i32>} : memref<128xf32, #tpu.memory_space<vmem>>, vector<16xf32>,
        tpu.vector_store %arg10[%swap3A_168], %broadcast_in_dim3A_35 {strides = array<i32>} : memref<128xf32, #tpu.memory_space<vmem>>, vector<16xf32>,
        %swap3A_170 = arith.constant 80 : index
        %swap3A_171 = tpu.vector_load %arg10[%swap3A_170] {strides = array<i32>} : memref<128xf32, #tpu.memory_space<vmem>>, vector<16xf32>,
        tpu.vector_store %arg10[%swap3A_170], %broadcast_in_dim3A_35 {strides = array<i32>} : memref<128xf32, #tpu.memory_space<vmem>>, vector<16xf32>,
        %swap3A_172 = arith.constant 96 : index
        %swap3A_173 = tpu.vector_load %arg10[%swap3A_172] {strides = array<i32>} : memref<128xf32, #tpu.memory_space<vmem>>, vector<16xf32>,
        tpu.vector_store %arg10[%swap3A_172], %broadcast_in_dim3A_35 {strides = array<i32>} : memref<128xf32, #tpu.memory_space<vmem>>, vector<16xf32>,
        %swap3A_174 = arith.constant 112 : index
        %swap3A_175 = tpu.vector_load %arg10[%swap3A_174] {strides = array<i32>} : memref<128xf32, #tpu.memory_space<vmem>>, vector<16xf32>,
        tpu.vector_store %arg10[%swap3A_174], %broadcast_in_dim3A_35 {strides = array<i32>} : memref<128xf32, #tpu.memory_space<vmem>>, vector<16xf32>,
        %swap3A_176 = arith.constant 0 : index
        %swap3A_177 = tpu.vector_load %arg11[%swap3A_176] {strides = array<i32>} : memref<128xf32, #tpu.memory_space<vmem>>, vector<16xf32>,
        tpu.vector_store %arg11[%swap3A_176], %broadcast_in_dim3A_35 {strides = array<i32>} : memref<128xf32, #tpu.memory_space<vmem>>, vector<16xf32>,
        %swap3A_178 = arith.constant 16 : index
        %swap3A_179 = tpu.vector_load %arg11[%swap3A_178] {strides = array<i32>} : memref<128xf32, #tpu.memory_space<vmem>>, vector<16xf32>,
        tpu.vector_store %arg11[%swap3A_178], %broadcast_in_dim3A_35 {strides = array<i32>} : memref<128xf32, #tpu.memory_space<vmem>>, vector<16xf32>,
        %swap3A_180 = arith.constant 32 : index
        %swap3A_181 = tpu.vector_load %arg11[%swap3A_180] {strides = array<i32>} : memref<128xf32, #tpu.memory_space<vmem>>, vector<16xf32>,
        tpu.vector_store %arg11[%swap3A_180], %broadcast_in_dim3A_35 {strides = array<i32>} : memref<128xf32, #tpu.memory_space<vmem>>, vector<16xf32>,
        %swap3A_182 = arith.constant 48 : index
        %swap3A_183 = tpu.vector_load %arg11[%swap3A_182] {strides = array<i32>} : memref<128xf32, #tpu.memory_space<vmem>>, vector<16xf32>,
        tpu.vector_store %arg11[%swap3A_182], %broadcast_in_dim3A_35 {strides = array<i32>} : memref<128xf32, #tpu.memory_space<vmem>>, vector<16xf32>,
        %swap3A_184 = arith.constant 64 : index
        %swap3A_185 = tpu.vector_load %arg11[%swap3A_184] {strides = array<i32>} : memref<128xf32, #tpu.memory_space<vmem>>, vector<16xf32>,
        tpu.vector_store %arg11[%swap3A_184], %broadcast_in_dim3A_35 {strides = array<i32>} : memref<128xf32, #tpu.memory_space<vmem>>, vector<16xf32>,
        %swap3A_186 = arith.constant 80 : index
        %swap3A_187 = tpu.vector_load %arg11[%swap3A_186] {strides = array<i32>} : memref<128xf32, #tpu.memory_space<vmem>>, vector<16xf32>,
        tpu.vector_store %arg11[%swap3A_186], %broadcast_in_dim3A_35 {strides = array<i32>} : memref<128xf32, #tpu.memory_space<vmem>>, vector<16xf32>,
        %swap3A_188 = arith.constant 96 : index
        %swap3A_189 = tpu.vector_load %arg11[%swap3A_188] {strides = array<i32>} : memref<128xf32, #tpu.memory_space<vmem>>, vector<16xf32>,
        tpu.vector_store %arg11[%swap3A_188], %broadcast_in_dim3A_35 {strides = array<i32>} : memref<128xf32, #tpu.memory_space<vmem>>, vector<16xf32>,
        %swap3A_190 = arith.constant 112 : index
        %swap3A_191 = tpu.vector_load %arg11[%swap3A_190] {strides = array<i32>} : memref<128xf32, #tpu.memory_space<vmem>>, vector<16xf32>,
        tpu.vector_store %arg11[%swap3A_190], %broadcast_in_dim3A_35 {strides = array<i32>} : memref<128xf32, #tpu.memory_space<vmem>>, vector<16xf32>,
        %scan3A_192 = arith.constant 0 : i32
        %scan3A_193 = arith.constant 8 : i32
        %scan3A_194 = arith.addi %scan3A_192, %scan3A_193 : i32
        %scan3A_195 = arith.constant 1 : i32
        %scan3A_196:4 = scf.for %scan3A_532 = %scan3A_192 to %scan3A_194 step %scan3A_195 iter_args(%scan3A_533 = %iota3A, %scan3A_534 = %broadcast_in_dim3A_35, %scan3A_535 = %broadcast_in_dim3A_35, %scan3A_536 = %broadcast_in_dim3A_35) -> (vector<16xi32>, vector<16xf32>, vector<16xf32>, vector<16xf32>)  : i32 {
          %add3A_537 = arith.addi %mul3A_122, %scan3A_533 : vector<16xi32>
          %gather3A_538 = tpu.vector_load_idx %arg5[%broadcast_in_dim3A_124, %broadcast_in_dim3A_124, %add3A_537] : memref<3x128x64xf32, #tpu.memory_space<vmem>>[vector<16xi32>, vector<16xi32>, vector<16xi32>], vector<16xf32>,
          %add3A_539 = arith.addi %add3A_537, %broadcast_in_dim3A_126 : vector<16xi32>
          %gather3A_540 = tpu.vector_load_idx %arg5[%broadcast_in_dim3A_124, %broadcast_in_dim3A_124, %add3A_539] : memref<3x128x64xf32, #tpu.memory_space<vmem>>[vector<16xi32>, vector<16xi32>, vector<16xi32>], vector<16xf32>,
          %add3A_541 = arith.addi %add3A_537, %broadcast_in_dim3A_128 : vector<16xi32>
          %gather3A_542 = tpu.vector_load_idx %arg5[%broadcast_in_dim3A_124, %broadcast_in_dim3A_124, %add3A_541] : memref<3x128x64xf32, #tpu.memory_space<vmem>>[vector<16xi32>, vector<16xi32>, vector<16xi32>], vector<16xf32>,
          %bitcast3A_543 = vector.bitcast %gather3A_538 : vector<16xf32> to vector<16xi32>
          %shift_right_logical3A = arith.shrui %bitcast3A_543, %broadcast_in_dim3A_40 : vector<16xi32>
          %and3A_544 = arith.andi %shift_right_logical3A, %broadcast_in_dim3A_46 : vector<16xi32>
          %bitcast3A_545 = vector.bitcast %gather3A_540 : vector<16xf32> to vector<16xi32>
          %shift_right_logical3A_546 = arith.shrui %bitcast3A_545, %broadcast_in_dim3A_42 : vector<16xi32>
          %and3A_547 = arith.andi %shift_right_logical3A_546, %broadcast_in_dim3A_48 : vector<16xi32>
          %bitcast3A_548 = vector.bitcast %gather3A_542 : vector<16xf32> to vector<16xi32>
          %shift_right_logical3A_549 = arith.shrui %bitcast3A_548, %broadcast_in_dim3A_44 : vector<16xi32>
          %and3A_550 = arith.andi %shift_right_logical3A_549, %broadcast_in_dim3A_50 : vector<16xi32>
          %add3A_551 = arith.addi %and3A_544, %and3A_547 : vector<16xi32>
          %add3A_552 = arith.addi %add3A_551, %and3A_550 : vector<16xi32>
          %sub3A_553 = arith.subi %add3A_38, %add3A_552 : vector<16xi32>
          tpu.vector_store_idx %arg8[%sub3A_553], %gather3A_538 {add = true} : memref<128xf32, #tpu.memory_space<vmem>>[vector<16xi32>], vector<16xf32>,
          tpu.vector_store_idx %arg9[%sub3A_553], %gather3A_540 {add = true} : memref<128xf32, #tpu.memory_space<vmem>>[vector<16xi32>], vector<16xf32>,
          tpu.vector_store_idx %arg10[%sub3A_553], %gather3A_542 {add = true} : memref<128xf32, #tpu.memory_space<vmem>>[vector<16xi32>], vector<16xf32>,
          tpu.vector_store_idx %arg11[%sub3A_553], %broadcast_in_dim3A_33 {add = true} : memref<128xf32, #tpu.memory_space<vmem>>[vector<16xi32>], vector<16xf32>,
          %add3A_554 = arith.addi %scan3A_533, %broadcast_in_dim3A_54 : vector<16xi32>
          %and3A_555 = arith.andi %add3A_554, %broadcast_in_dim3A_52 : vector<16xi32>
          %mul3A_556 = arith.mulf %gather3A_538, %gather3A_538 : vector<16xf32>
          %add3A_557 = arith.addf %scan3A_534, %mul3A_556 : vector<16xf32>
          %mul3A_558 = arith.mulf %gather3A_540, %gather3A_540 : vector<16xf32>
          %add3A_559 = arith.addf %scan3A_535, %mul3A_558 : vector<16xf32>
          %mul3A_560 = arith.mulf %gather3A_542, %gather3A_542 : vector<16xf32>
          %add3A_561 = arith.addf %scan3A_536, %mul3A_560 : vector<16xf32>
          %add3A_562 = arith.addi %mul3A_122, %and3A_555 : vector<16xi32>
          %gather3A_563 = tpu.vector_load_idx %arg5[%broadcast_in_dim3A_124, %broadcast_in_dim3A_124, %add3A_562] : memref<3x128x64xf32, #tpu.memory_space<vmem>>[vector<16xi32>, vector<16xi32>, vector<16xi32>], vector<16xf32>,
          %add3A_564 = arith.addi %add3A_562, %broadcast_in_dim3A_126 : vector<16xi32>
          %gather3A_565 = tpu.vector_load_idx %arg5[%broadcast_in_dim3A_124, %broadcast_in_dim3A_124, %add3A_564] : memref<3x128x64xf32, #tpu.memory_space<vmem>>[vector<16xi32>, vector<16xi32>, vector<16xi32>], vector<16xf32>,
          %add3A_566 = arith.addi %add3A_562, %broadcast_in_dim3A_128 : vector<16xi32>
          %gather3A_567 = tpu.vector_load_idx %arg5[%broadcast_in_dim3A_124, %broadcast_in_dim3A_124, %add3A_566] : memref<3x128x64xf32, #tpu.memory_space<vmem>>[vector<16xi32>, vector<16xi32>, vector<16xi32>], vector<16xf32>,
          %bitcast3A_568 = vector.bitcast %gather3A_563 : vector<16xf32> to vector<16xi32>
          %shift_right_logical3A_569 = arith.shrui %bitcast3A_568, %broadcast_in_dim3A_40 : vector<16xi32>
          %and3A_570 = arith.andi %shift_right_logical3A_569, %broadcast_in_dim3A_46 : vector<16xi32>
          %bitcast3A_571 = vector.bitcast %gather3A_565 : vector<16xf32> to vector<16xi32>
          %shift_right_logical3A_572 = arith.shrui %bitcast3A_571, %broadcast_in_dim3A_42 : vector<16xi32>
          %and3A_573 = arith.andi %shift_right_logical3A_572, %broadcast_in_dim3A_48 : vector<16xi32>
          %bitcast3A_574 = vector.bitcast %gather3A_567 : vector<16xf32> to vector<16xi32>
          %shift_right_logical3A_575 = arith.shrui %bitcast3A_574, %broadcast_in_dim3A_44 : vector<16xi32>
          %and3A_576 = arith.andi %shift_right_logical3A_575, %broadcast_in_dim3A_50 : vector<16xi32>
          %add3A_577 = arith.addi %and3A_570, %and3A_573 : vector<16xi32>
          %add3A_578 = arith.addi %add3A_577, %and3A_576 : vector<16xi32>
          %sub3A_579 = arith.subi %add3A_38, %add3A_578 : vector<16xi32>
          tpu.vector_store_idx %arg8[%sub3A_579], %gather3A_563 {add = true} : memref<128xf32, #tpu.memory_space<vmem>>[vector<16xi32>], vector<16xf32>,
          tpu.vector_store_idx %arg9[%sub3A_579], %gather3A_565 {add = true} : memref<128xf32, #tpu.memory_space<vmem>>[vector<16xi32>], vector<16xf32>,
          tpu.vector_store_idx %arg10[%sub3A_579], %gather3A_567 {add = true} : memref<128xf32, #tpu.memory_space<vmem>>[vector<16xi32>], vector<16xf32>,
          tpu.vector_store_idx %arg11[%sub3A_579], %broadcast_in_dim3A_33 {add = true} : memref<128xf32, #tpu.memory_space<vmem>>[vector<16xi32>], vector<16xf32>,
          %add3A_580 = arith.addi %and3A_555, %broadcast_in_dim3A_54 : vector<16xi32>
          %and3A_581 = arith.andi %add3A_580, %broadcast_in_dim3A_52 : vector<16xi32>
          %mul3A_582 = arith.mulf %gather3A_563, %gather3A_563 : vector<16xf32>
          %add3A_583 = arith.addf %add3A_557, %mul3A_582 : vector<16xf32>
          %mul3A_584 = arith.mulf %gather3A_565, %gather3A_565 : vector<16xf32>
          %add3A_585 = arith.addf %add3A_559, %mul3A_584 : vector<16xf32>
          %mul3A_586 = arith.mulf %gather3A_567, %gather3A_567 : vector<16xf32>
          %add3A_587 = arith.addf %add3A_561, %mul3A_586 : vector<16xf32>
          %add3A_588 = arith.addi %mul3A_122, %and3A_581 : vector<16xi32>
          %gather3A_589 = tpu.vector_load_idx %arg5[%broadcast_in_dim3A_124, %broadcast_in_dim3A_124, %add3A_588] : memref<3x128x64xf32, #tpu.memory_space<vmem>>[vector<16xi32>, vector<16xi32>, vector<16xi32>], vector<16xf32>,
          %add3A_590 = arith.addi %add3A_588, %broadcast_in_dim3A_126 : vector<16xi32>
          %gather3A_591 = tpu.vector_load_idx %arg5[%broadcast_in_dim3A_124, %broadcast_in_dim3A_124, %add3A_590] : memref<3x128x64xf32, #tpu.memory_space<vmem>>[vector<16xi32>, vector<16xi32>, vector<16xi32>], vector<16xf32>,
          %add3A_592 = arith.addi %add3A_588, %broadcast_in_dim3A_128 : vector<16xi32>
          %gather3A_593 = tpu.vector_load_idx %arg5[%broadcast_in_dim3A_124, %broadcast_in_dim3A_124, %add3A_592] : memref<3x128x64xf32, #tpu.memory_space<vmem>>[vector<16xi32>, vector<16xi32>, vector<16xi32>], vector<16xf32>,
          %bitcast3A_594 = vector.bitcast %gather3A_589 : vector<16xf32> to vector<16xi32>
          %shift_right_logical3A_595 = arith.shrui %bitcast3A_594, %broadcast_in_dim3A_40 : vector<16xi32>
          %and3A_596 = arith.andi %shift_right_logical3A_595, %broadcast_in_dim3A_46 : vector<16xi32>
          %bitcast3A_597 = vector.bitcast %gather3A_591 : vector<16xf32> to vector<16xi32>
          %shift_right_logical3A_598 = arith.shrui %bitcast3A_597, %broadcast_in_dim3A_42 : vector<16xi32>
          %and3A_599 = arith.andi %shift_right_logical3A_598, %broadcast_in_dim3A_48 : vector<16xi32>
          %bitcast3A_600 = vector.bitcast %gather3A_593 : vector<16xf32> to vector<16xi32>
          %shift_right_logical3A_601 = arith.shrui %bitcast3A_600, %broadcast_in_dim3A_44 : vector<16xi32>
          %and3A_602 = arith.andi %shift_right_logical3A_601, %broadcast_in_dim3A_50 : vector<16xi32>
          %add3A_603 = arith.addi %and3A_596, %and3A_599 : vector<16xi32>
          %add3A_604 = arith.addi %add3A_603, %and3A_602 : vector<16xi32>
          %sub3A_605 = arith.subi %add3A_38, %add3A_604 : vector<16xi32>
          tpu.vector_store_idx %arg8[%sub3A_605], %gather3A_589 {add = true} : memref<128xf32, #tpu.memory_space<vmem>>[vector<16xi32>], vector<16xf32>,
          tpu.vector_store_idx %arg9[%sub3A_605], %gather3A_591 {add = true} : memref<128xf32, #tpu.memory_space<vmem>>[vector<16xi32>], vector<16xf32>,
          tpu.vector_store_idx %arg10[%sub3A_605], %gather3A_593 {add = true} : memref<128xf32, #tpu.memory_space<vmem>>[vector<16xi32>], vector<16xf32>,
          tpu.vector_store_idx %arg11[%sub3A_605], %broadcast_in_dim3A_33 {add = true} : memref<128xf32, #tpu.memory_space<vmem>>[vector<16xi32>], vector<16xf32>,
          %add3A_606 = arith.addi %and3A_581, %broadcast_in_dim3A_54 : vector<16xi32>
          %and3A_607 = arith.andi %add3A_606, %broadcast_in_dim3A_52 : vector<16xi32>
          %mul3A_608 = arith.mulf %gather3A_589, %gather3A_589 : vector<16xf32>
          %add3A_609 = arith.addf %add3A_583, %mul3A_608 : vector<16xf32>
          %mul3A_610 = arith.mulf %gather3A_591, %gather3A_591 : vector<16xf32>
          %add3A_611 = arith.addf %add3A_585, %mul3A_610 : vector<16xf32>
          %mul3A_612 = arith.mulf %gather3A_593, %gather3A_593 : vector<16xf32>
          %add3A_613 = arith.addf %add3A_587, %mul3A_612 : vector<16xf32>
          %add3A_614 = arith.addi %mul3A_122, %and3A_607 : vector<16xi32>
          %gather3A_615 = tpu.vector_load_idx %arg5[%broadcast_in_dim3A_124, %broadcast_in_dim3A_124, %add3A_614] : memref<3x128x64xf32, #tpu.memory_space<vmem>>[vector<16xi32>, vector<16xi32>, vector<16xi32>], vector<16xf32>,
          %add3A_616 = arith.addi %add3A_614, %broadcast_in_dim3A_126 : vector<16xi32>
          %gather3A_617 = tpu.vector_load_idx %arg5[%broadcast_in_dim3A_124, %broadcast_in_dim3A_124, %add3A_616] : memref<3x128x64xf32, #tpu.memory_space<vmem>>[vector<16xi32>, vector<16xi32>, vector<16xi32>], vector<16xf32>,
          %add3A_618 = arith.addi %add3A_614, %broadcast_in_dim3A_128 : vector<16xi32>
          %gather3A_619 = tpu.vector_load_idx %arg5[%broadcast_in_dim3A_124, %broadcast_in_dim3A_124, %add3A_618] : memref<3x128x64xf32, #tpu.memory_space<vmem>>[vector<16xi32>, vector<16xi32>, vector<16xi32>], vector<16xf32>,
          %bitcast3A_620 = vector.bitcast %gather3A_615 : vector<16xf32> to vector<16xi32>
          %shift_right_logical3A_621 = arith.shrui %bitcast3A_620, %broadcast_in_dim3A_40 : vector<16xi32>
          %and3A_622 = arith.andi %shift_right_logical3A_621, %broadcast_in_dim3A_46 : vector<16xi32>
          %bitcast3A_623 = vector.bitcast %gather3A_617 : vector<16xf32> to vector<16xi32>
          %shift_right_logical3A_624 = arith.shrui %bitcast3A_623, %broadcast_in_dim3A_42 : vector<16xi32>
          %and3A_625 = arith.andi %shift_right_logical3A_624, %broadcast_in_dim3A_48 : vector<16xi32>
          %bitcast3A_626 = vector.bitcast %gather3A_619 : vector<16xf32> to vector<16xi32>
          %shift_right_logical3A_627 = arith.shrui %bitcast3A_626, %broadcast_in_dim3A_44 : vector<16xi32>
          %and3A_628 = arith.andi %shift_right_logical3A_627, %broadcast_in_dim3A_50 : vector<16xi32>
          %add3A_629 = arith.addi %and3A_622, %and3A_625 : vector<16xi32>
          %add3A_630 = arith.addi %add3A_629, %and3A_628 : vector<16xi32>
          %sub3A_631 = arith.subi %add3A_38, %add3A_630 : vector<16xi32>
          tpu.vector_store_idx %arg8[%sub3A_631], %gather3A_615 {add = true} : memref<128xf32, #tpu.memory_space<vmem>>[vector<16xi32>], vector<16xf32>,
          tpu.vector_store_idx %arg9[%sub3A_631], %gather3A_617 {add = true} : memref<128xf32, #tpu.memory_space<vmem>>[vector<16xi32>], vector<16xf32>,
          tpu.vector_store_idx %arg10[%sub3A_631], %gather3A_619 {add = true} : memref<128xf32, #tpu.memory_space<vmem>>[vector<16xi32>], vector<16xf32>,
          tpu.vector_store_idx %arg11[%sub3A_631], %broadcast_in_dim3A_33 {add = true} : memref<128xf32, #tpu.memory_space<vmem>>[vector<16xi32>], vector<16xf32>,
          %add3A_632 = arith.addi %and3A_607, %broadcast_in_dim3A_54 : vector<16xi32>
          %and3A_633 = arith.andi %add3A_632, %broadcast_in_dim3A_52 : vector<16xi32>
          %mul3A_634 = arith.mulf %gather3A_615, %gather3A_615 : vector<16xf32>
          %add3A_635 = arith.addf %add3A_609, %mul3A_634 : vector<16xf32>
          %mul3A_636 = arith.mulf %gather3A_617, %gather3A_617 : vector<16xf32>
          %add3A_637 = arith.addf %add3A_611, %mul3A_636 : vector<16xf32>
          %mul3A_638 = arith.mulf %gather3A_619, %gather3A_619 : vector<16xf32>
          %add3A_639 = arith.addf %add3A_613, %mul3A_638 : vector<16xf32>
          %add3A_640 = arith.addi %mul3A_122, %and3A_633 : vector<16xi32>
          %gather3A_641 = tpu.vector_load_idx %arg5[%broadcast_in_dim3A_124, %broadcast_in_dim3A_124, %add3A_640] : memref<3x128x64xf32, #tpu.memory_space<vmem>>[vector<16xi32>, vector<16xi32>, vector<16xi32>], vector<16xf32>,
          %add3A_642 = arith.addi %add3A_640, %broadcast_in_dim3A_126 : vector<16xi32>
          %gather3A_643 = tpu.vector_load_idx %arg5[%broadcast_in_dim3A_124, %broadcast_in_dim3A_124, %add3A_642] : memref<3x128x64xf32, #tpu.memory_space<vmem>>[vector<16xi32>, vector<16xi32>, vector<16xi32>], vector<16xf32>,
          %add3A_644 = arith.addi %add3A_640, %broadcast_in_dim3A_128 : vector<16xi32>
          %gather3A_645 = tpu.vector_load_idx %arg5[%broadcast_in_dim3A_124, %broadcast_in_dim3A_124, %add3A_644] : memref<3x128x64xf32, #tpu.memory_space<vmem>>[vector<16xi32>, vector<16xi32>, vector<16xi32>], vector<16xf32>,
          %bitcast3A_646 = vector.bitcast %gather3A_641 : vector<16xf32> to vector<16xi32>
          %shift_right_logical3A_647 = arith.shrui %bitcast3A_646, %broadcast_in_dim3A_40 : vector<16xi32>
          %and3A_648 = arith.andi %shift_right_logical3A_647, %broadcast_in_dim3A_46 : vector<16xi32>
          %bitcast3A_649 = vector.bitcast %gather3A_643 : vector<16xf32> to vector<16xi32>
          %shift_right_logical3A_650 = arith.shrui %bitcast3A_649, %broadcast_in_dim3A_42 : vector<16xi32>
          %and3A_651 = arith.andi %shift_right_logical3A_650, %broadcast_in_dim3A_48 : vector<16xi32>
          %bitcast3A_652 = vector.bitcast %gather3A_645 : vector<16xf32> to vector<16xi32>
          %shift_right_logical3A_653 = arith.shrui %bitcast3A_652, %broadcast_in_dim3A_44 : vector<16xi32>
          %and3A_654 = arith.andi %shift_right_logical3A_653, %broadcast_in_dim3A_50 : vector<16xi32>
          %add3A_655 = arith.addi %and3A_648, %and3A_651 : vector<16xi32>
          %add3A_656 = arith.addi %add3A_655, %and3A_654 : vector<16xi32>
          %sub3A_657 = arith.subi %add3A_38, %add3A_656 : vector<16xi32>
          tpu.vector_store_idx %arg8[%sub3A_657], %gather3A_641 {add = true} : memref<128xf32, #tpu.memory_space<vmem>>[vector<16xi32>], vector<16xf32>,
          tpu.vector_store_idx %arg9[%sub3A_657], %gather3A_643 {add = true} : memref<128xf32, #tpu.memory_space<vmem>>[vector<16xi32>], vector<16xf32>,
          tpu.vector_store_idx %arg10[%sub3A_657], %gather3A_645 {add = true} : memref<128xf32, #tpu.memory_space<vmem>>[vector<16xi32>], vector<16xf32>,
          tpu.vector_store_idx %arg11[%sub3A_657], %broadcast_in_dim3A_33 {add = true} : memref<128xf32, #tpu.memory_space<vmem>>[vector<16xi32>], vector<16xf32>,
          %add3A_658 = arith.addi %and3A_633, %broadcast_in_dim3A_54 : vector<16xi32>
          %and3A_659 = arith.andi %add3A_658, %broadcast_in_dim3A_52 : vector<16xi32>
          %mul3A_660 = arith.mulf %gather3A_641, %gather3A_641 : vector<16xf32>
          %add3A_661 = arith.addf %add3A_635, %mul3A_660 : vector<16xf32>
          %mul3A_662 = arith.mulf %gather3A_643, %gather3A_643 : vector<16xf32>
          %add3A_663 = arith.addf %add3A_637, %mul3A_662 : vector<16xf32>
          %mul3A_664 = arith.mulf %gather3A_645, %gather3A_645 : vector<16xf32>
          %add3A_665 = arith.addf %add3A_639, %mul3A_664 : vector<16xf32>
          %add3A_666 = arith.addi %mul3A_122, %and3A_659 : vector<16xi32>
          %gather3A_667 = tpu.vector_load_idx %arg5[%broadcast_in_dim3A_124, %broadcast_in_dim3A_124, %add3A_666] : memref<3x128x64xf32, #tpu.memory_space<vmem>>[vector<16xi32>, vector<16xi32>, vector<16xi32>], vector<16xf32>,
          %add3A_668 = arith.addi %add3A_666, %broadcast_in_dim3A_126 : vector<16xi32>
          %gather3A_669 = tpu.vector_load_idx %arg5[%broadcast_in_dim3A_124, %broadcast_in_dim3A_124, %add3A_668] : memref<3x128x64xf32, #tpu.memory_space<vmem>>[vector<16xi32>, vector<16xi32>, vector<16xi32>], vector<16xf32>,
          %add3A_670 = arith.addi %add3A_666, %broadcast_in_dim3A_128 : vector<16xi32>
          %gather3A_671 = tpu.vector_load_idx %arg5[%broadcast_in_dim3A_124, %broadcast_in_dim3A_124, %add3A_670] : memref<3x128x64xf32, #tpu.memory_space<vmem>>[vector<16xi32>, vector<16xi32>, vector<16xi32>], vector<16xf32>,
          %bitcast3A_672 = vector.bitcast %gather3A_667 : vector<16xf32> to vector<16xi32>
          %shift_right_logical3A_673 = arith.shrui %bitcast3A_672, %broadcast_in_dim3A_40 : vector<16xi32>
          %and3A_674 = arith.andi %shift_right_logical3A_673, %broadcast_in_dim3A_46 : vector<16xi32>
          %bitcast3A_675 = vector.bitcast %gather3A_669 : vector<16xf32> to vector<16xi32>
          %shift_right_logical3A_676 = arith.shrui %bitcast3A_675, %broadcast_in_dim3A_42 : vector<16xi32>
          %and3A_677 = arith.andi %shift_right_logical3A_676, %broadcast_in_dim3A_48 : vector<16xi32>
          %bitcast3A_678 = vector.bitcast %gather3A_671 : vector<16xf32> to vector<16xi32>
          %shift_right_logical3A_679 = arith.shrui %bitcast3A_678, %broadcast_in_dim3A_44 : vector<16xi32>
          %and3A_680 = arith.andi %shift_right_logical3A_679, %broadcast_in_dim3A_50 : vector<16xi32>
          %add3A_681 = arith.addi %and3A_674, %and3A_677 : vector<16xi32>
          %add3A_682 = arith.addi %add3A_681, %and3A_680 : vector<16xi32>
          %sub3A_683 = arith.subi %add3A_38, %add3A_682 : vector<16xi32>
          tpu.vector_store_idx %arg8[%sub3A_683], %gather3A_667 {add = true} : memref<128xf32, #tpu.memory_space<vmem>>[vector<16xi32>], vector<16xf32>,
          tpu.vector_store_idx %arg9[%sub3A_683], %gather3A_669 {add = true} : memref<128xf32, #tpu.memory_space<vmem>>[vector<16xi32>], vector<16xf32>,
          tpu.vector_store_idx %arg10[%sub3A_683], %gather3A_671 {add = true} : memref<128xf32, #tpu.memory_space<vmem>>[vector<16xi32>], vector<16xf32>,
          tpu.vector_store_idx %arg11[%sub3A_683], %broadcast_in_dim3A_33 {add = true} : memref<128xf32, #tpu.memory_space<vmem>>[vector<16xi32>], vector<16xf32>,
          %add3A_684 = arith.addi %and3A_659, %broadcast_in_dim3A_54 : vector<16xi32>
          %and3A_685 = arith.andi %add3A_684, %broadcast_in_dim3A_52 : vector<16xi32>
          %mul3A_686 = arith.mulf %gather3A_667, %gather3A_667 : vector<16xf32>
          %add3A_687 = arith.addf %add3A_661, %mul3A_686 : vector<16xf32>
          %mul3A_688 = arith.mulf %gather3A_669, %gather3A_669 : vector<16xf32>
          %add3A_689 = arith.addf %add3A_663, %mul3A_688 : vector<16xf32>
          %mul3A_690 = arith.mulf %gather3A_671, %gather3A_671 : vector<16xf32>
          %add3A_691 = arith.addf %add3A_665, %mul3A_690 : vector<16xf32>
          %add3A_692 = arith.addi %mul3A_122, %and3A_685 : vector<16xi32>
          %gather3A_693 = tpu.vector_load_idx %arg5[%broadcast_in_dim3A_124, %broadcast_in_dim3A_124, %add3A_692] : memref<3x128x64xf32, #tpu.memory_space<vmem>>[vector<16xi32>, vector<16xi32>, vector<16xi32>], vector<16xf32>,
          %add3A_694 = arith.addi %add3A_692, %broadcast_in_dim3A_126 : vector<16xi32>
          %gather3A_695 = tpu.vector_load_idx %arg5[%broadcast_in_dim3A_124, %broadcast_in_dim3A_124, %add3A_694] : memref<3x128x64xf32, #tpu.memory_space<vmem>>[vector<16xi32>, vector<16xi32>, vector<16xi32>], vector<16xf32>,
          %add3A_696 = arith.addi %add3A_692, %broadcast_in_dim3A_128 : vector<16xi32>
          %gather3A_697 = tpu.vector_load_idx %arg5[%broadcast_in_dim3A_124, %broadcast_in_dim3A_124, %add3A_696] : memref<3x128x64xf32, #tpu.memory_space<vmem>>[vector<16xi32>, vector<16xi32>, vector<16xi32>], vector<16xf32>,
          %bitcast3A_698 = vector.bitcast %gather3A_693 : vector<16xf32> to vector<16xi32>
          %shift_right_logical3A_699 = arith.shrui %bitcast3A_698, %broadcast_in_dim3A_40 : vector<16xi32>
          %and3A_700 = arith.andi %shift_right_logical3A_699, %broadcast_in_dim3A_46 : vector<16xi32>
          %bitcast3A_701 = vector.bitcast %gather3A_695 : vector<16xf32> to vector<16xi32>
          %shift_right_logical3A_702 = arith.shrui %bitcast3A_701, %broadcast_in_dim3A_42 : vector<16xi32>
          %and3A_703 = arith.andi %shift_right_logical3A_702, %broadcast_in_dim3A_48 : vector<16xi32>
          %bitcast3A_704 = vector.bitcast %gather3A_697 : vector<16xf32> to vector<16xi32>
          %shift_right_logical3A_705 = arith.shrui %bitcast3A_704, %broadcast_in_dim3A_44 : vector<16xi32>
          %and3A_706 = arith.andi %shift_right_logical3A_705, %broadcast_in_dim3A_50 : vector<16xi32>
          %add3A_707 = arith.addi %and3A_700, %and3A_703 : vector<16xi32>
          %add3A_708 = arith.addi %add3A_707, %and3A_706 : vector<16xi32>
          %sub3A_709 = arith.subi %add3A_38, %add3A_708 : vector<16xi32>
          tpu.vector_store_idx %arg8[%sub3A_709], %gather3A_693 {add = true} : memref<128xf32, #tpu.memory_space<vmem>>[vector<16xi32>], vector<16xf32>,
          tpu.vector_store_idx %arg9[%sub3A_709], %gather3A_695 {add = true} : memref<128xf32, #tpu.memory_space<vmem>>[vector<16xi32>], vector<16xf32>,
          tpu.vector_store_idx %arg10[%sub3A_709], %gather3A_697 {add = true} : memref<128xf32, #tpu.memory_space<vmem>>[vector<16xi32>], vector<16xf32>,
          tpu.vector_store_idx %arg11[%sub3A_709], %broadcast_in_dim3A_33 {add = true} : memref<128xf32, #tpu.memory_space<vmem>>[vector<16xi32>], vector<16xf32>,
          %add3A_710 = arith.addi %and3A_685, %broadcast_in_dim3A_54 : vector<16xi32>
          %and3A_711 = arith.andi %add3A_710, %broadcast_in_dim3A_52 : vector<16xi32>
          %mul3A_712 = arith.mulf %gather3A_693, %gather3A_693 : vector<16xf32>
          %add3A_713 = arith.addf %add3A_687, %mul3A_712 : vector<16xf32>
          %mul3A_714 = arith.mulf %gather3A_695, %gather3A_695 : vector<16xf32>
          %add3A_715 = arith.addf %add3A_689, %mul3A_714 : vector<16xf32>
          %mul3A_716 = arith.mulf %gather3A_697, %gather3A_697 : vector<16xf32>
          %add3A_717 = arith.addf %add3A_691, %mul3A_716 : vector<16xf32>
          %add3A_718 = arith.addi %mul3A_122, %and3A_711 : vector<16xi32>
          %gather3A_719 = tpu.vector_load_idx %arg5[%broadcast_in_dim3A_124, %broadcast_in_dim3A_124, %add3A_718] : memref<3x128x64xf32, #tpu.memory_space<vmem>>[vector<16xi32>, vector<16xi32>, vector<16xi32>], vector<16xf32>,
          %add3A_720 = arith.addi %add3A_718, %broadcast_in_dim3A_126 : vector<16xi32>
          %gather3A_721 = tpu.vector_load_idx %arg5[%broadcast_in_dim3A_124, %broadcast_in_dim3A_124, %add3A_720] : memref<3x128x64xf32, #tpu.memory_space<vmem>>[vector<16xi32>, vector<16xi32>, vector<16xi32>], vector<16xf32>,
          %add3A_722 = arith.addi %add3A_718, %broadcast_in_dim3A_128 : vector<16xi32>
          %gather3A_723 = tpu.vector_load_idx %arg5[%broadcast_in_dim3A_124, %broadcast_in_dim3A_124, %add3A_722] : memref<3x128x64xf32, #tpu.memory_space<vmem>>[vector<16xi32>, vector<16xi32>, vector<16xi32>], vector<16xf32>,
          %bitcast3A_724 = vector.bitcast %gather3A_719 : vector<16xf32> to vector<16xi32>
          %shift_right_logical3A_725 = arith.shrui %bitcast3A_724, %broadcast_in_dim3A_40 : vector<16xi32>
          %and3A_726 = arith.andi %shift_right_logical3A_725, %broadcast_in_dim3A_46 : vector<16xi32>
          %bitcast3A_727 = vector.bitcast %gather3A_721 : vector<16xf32> to vector<16xi32>
          %shift_right_logical3A_728 = arith.shrui %bitcast3A_727, %broadcast_in_dim3A_42 : vector<16xi32>
          %and3A_729 = arith.andi %shift_right_logical3A_728, %broadcast_in_dim3A_48 : vector<16xi32>
          %bitcast3A_730 = vector.bitcast %gather3A_723 : vector<16xf32> to vector<16xi32>
          %shift_right_logical3A_731 = arith.shrui %bitcast3A_730, %broadcast_in_dim3A_44 : vector<16xi32>
          %and3A_732 = arith.andi %shift_right_logical3A_731, %broadcast_in_dim3A_50 : vector<16xi32>
          %add3A_733 = arith.addi %and3A_726, %and3A_729 : vector<16xi32>
          %add3A_734 = arith.addi %add3A_733, %and3A_732 : vector<16xi32>
          %sub3A_735 = arith.subi %add3A_38, %add3A_734 : vector<16xi32>
          tpu.vector_store_idx %arg8[%sub3A_735], %gather3A_719 {add = true} : memref<128xf32, #tpu.memory_space<vmem>>[vector<16xi32>], vector<16xf32>,
          tpu.vector_store_idx %arg9[%sub3A_735], %gather3A_721 {add = true} : memref<128xf32, #tpu.memory_space<vmem>>[vector<16xi32>], vector<16xf32>,
          tpu.vector_store_idx %arg10[%sub3A_735], %gather3A_723 {add = true} : memref<128xf32, #tpu.memory_space<vmem>>[vector<16xi32>], vector<16xf32>,
          tpu.vector_store_idx %arg11[%sub3A_735], %broadcast_in_dim3A_33 {add = true} : memref<128xf32, #tpu.memory_space<vmem>>[vector<16xi32>], vector<16xf32>,
          %add3A_736 = arith.addi %and3A_711, %broadcast_in_dim3A_54 : vector<16xi32>
          %and3A_737 = arith.andi %add3A_736, %broadcast_in_dim3A_52 : vector<16xi32>
          %mul3A_738 = arith.mulf %gather3A_719, %gather3A_719 : vector<16xf32>
          %add3A_739 = arith.addf %add3A_713, %mul3A_738 : vector<16xf32>
          %mul3A_740 = arith.mulf %gather3A_721, %gather3A_721 : vector<16xf32>
          %add3A_741 = arith.addf %add3A_715, %mul3A_740 : vector<16xf32>
          %mul3A_742 = arith.mulf %gather3A_723, %gather3A_723 : vector<16xf32>
          %add3A_743 = arith.addf %add3A_717, %mul3A_742 : vector<16xf32>
          scf.yield %and3A_737, %add3A_739, %add3A_741, %add3A_743 : vector<16xi32>, vector<16xf32>, vector<16xf32>, vector<16xf32>
        }
        %scan3A_197 = arith.constant 8 : i32
        %get3A = arith.constant 0 : index
        %get3A_198 = tpu.vector_load %arg11[%get3A] {strides = array<i32>} : memref<128xf32, #tpu.memory_space<vmem>>, vector<16xf32>,
        %max3A = arith.maximumf %get3A_198, %broadcast_in_dim3A_33 : vector<16xf32>
        %div3A_199 = arith.divf %broadcast_in_dim3A_33, %max3A : vector<16xf32>
        %get3A_200 = arith.constant 0 : index
        %get3A_201 = tpu.vector_load %arg8[%get3A_200] {strides = array<i32>} : memref<128xf32, #tpu.memory_space<vmem>>, vector<16xf32>,
        %add3A_202 = arith.addf %broadcast_in_dim3A_35, %get3A_201 : vector<16xf32>
        %broadcast_in_dim3A_203 = arith.constant 6 : i32
        %broadcast_in_dim3A_204 = vector.broadcast %broadcast_in_dim3A_203 : i32 to vector<16xi32>
        %add3A_205 = arith.addi %mul3A_122, %broadcast_in_dim3A_204 : vector<16xi32>
        %mul3A_206 = arith.mulf %get3A_201, %div3A_199 : vector<16xf32>
        tpu.vector_store_idx %arg7[%broadcast_in_dim3A_124, %add3A_205], %mul3A_206 : memref<128x30xf32, #tpu.memory_space<vmem>>[vector<16xi32>, vector<16xi32>], vector<16xf32>,
        %get3A_207 = arith.constant 0 : index
        %get3A_208 = tpu.vector_load %arg9[%get3A_207] {strides = array<i32>} : memref<128xf32, #tpu.memory_space<vmem>>, vector<16xf32>,
        %add3A_209 = arith.addf %broadcast_in_dim3A_35, %get3A_208 : vector<16xf32>
        %broadcast_in_dim3A_210 = arith.constant 7 : i32
        %broadcast_in_dim3A_211 = vector.broadcast %broadcast_in_dim3A_210 : i32 to vector<16xi32>
        %add3A_212 = arith.addi %mul3A_122, %broadcast_in_dim3A_211 : vector<16xi32>
        %mul3A_213 = arith.mulf %get3A_208, %div3A_199 : vector<16xf32>
        tpu.vector_store_idx %arg7[%broadcast_in_dim3A_124, %add3A_212], %mul3A_213 : memref<128x30xf32, #tpu.memory_space<vmem>>[vector<16xi32>, vector<16xi32>], vector<16xf32>,
        %get3A_214 = arith.constant 0 : index
        %get3A_215 = tpu.vector_load %arg10[%get3A_214] {strides = array<i32>} : memref<128xf32, #tpu.memory_space<vmem>>, vector<16xf32>,
        %add3A_216 = arith.addf %broadcast_in_dim3A_35, %get3A_215 : vector<16xf32>
        %broadcast_in_dim3A_217 = arith.constant 8 : i32
        %broadcast_in_dim3A_218 = vector.broadcast %broadcast_in_dim3A_217 : i32 to vector<16xi32>
        %add3A_219 = arith.addi %mul3A_122, %broadcast_in_dim3A_218 : vector<16xi32>
        %mul3A_220 = arith.mulf %get3A_215, %div3A_199 : vector<16xf32>
        tpu.vector_store_idx %arg7[%broadcast_in_dim3A_124, %add3A_219], %mul3A_220 : memref<128x30xf32, #tpu.memory_space<vmem>>[vector<16xi32>, vector<16xi32>], vector<16xf32>,
        %get3A_221 = arith.constant 16 : index
        %get3A_222 = tpu.vector_load %arg11[%get3A_221] {strides = array<i32>} : memref<128xf32, #tpu.memory_space<vmem>>, vector<16xf32>,
        %max3A_223 = arith.maximumf %get3A_222, %broadcast_in_dim3A_33 : vector<16xf32>
        %div3A_224 = arith.divf %broadcast_in_dim3A_33, %max3A_223 : vector<16xf32>
        %get3A_225 = arith.constant 16 : index
        %get3A_226 = tpu.vector_load %arg8[%get3A_225] {strides = array<i32>} : memref<128xf32, #tpu.memory_space<vmem>>, vector<16xf32>,
        %add3A_227 = arith.addf %add3A_202, %get3A_226 : vector<16xf32>
        %broadcast_in_dim3A_228 = arith.constant 9 : i32
        %broadcast_in_dim3A_229 = vector.broadcast %broadcast_in_dim3A_228 : i32 to vector<16xi32>
        %add3A_230 = arith.addi %mul3A_122, %broadcast_in_dim3A_229 : vector<16xi32>
        %mul3A_231 = arith.mulf %get3A_226, %div3A_224 : vector<16xf32>
        tpu.vector_store_idx %arg7[%broadcast_in_dim3A_124, %add3A_230], %mul3A_231 : memref<128x30xf32, #tpu.memory_space<vmem>>[vector<16xi32>, vector<16xi32>], vector<16xf32>,
        %get3A_232 = arith.constant 16 : index
        %get3A_233 = tpu.vector_load %arg9[%get3A_232] {strides = array<i32>} : memref<128xf32, #tpu.memory_space<vmem>>, vector<16xf32>,
        %add3A_234 = arith.addf %add3A_209, %get3A_233 : vector<16xf32>
        %broadcast_in_dim3A_235 = arith.constant 10 : i32
        %broadcast_in_dim3A_236 = vector.broadcast %broadcast_in_dim3A_235 : i32 to vector<16xi32>
        %add3A_237 = arith.addi %mul3A_122, %broadcast_in_dim3A_236 : vector<16xi32>
        %mul3A_238 = arith.mulf %get3A_233, %div3A_224 : vector<16xf32>
        tpu.vector_store_idx %arg7[%broadcast_in_dim3A_124, %add3A_237], %mul3A_238 : memref<128x30xf32, #tpu.memory_space<vmem>>[vector<16xi32>, vector<16xi32>], vector<16xf32>,
        %get3A_239 = arith.constant 16 : index
        %get3A_240 = tpu.vector_load %arg10[%get3A_239] {strides = array<i32>} : memref<128xf32, #tpu.memory_space<vmem>>, vector<16xf32>,
        %add3A_241 = arith.addf %add3A_216, %get3A_240 : vector<16xf32>
        %broadcast_in_dim3A_242 = arith.constant 11 : i32
        %broadcast_in_dim3A_243 = vector.broadcast %broadcast_in_dim3A_242 : i32 to vector<16xi32>
        %add3A_244 = arith.addi %mul3A_122, %broadcast_in_dim3A_243 : vector<16xi32>
        %mul3A_245 = arith.mulf %get3A_240, %div3A_224 : vector<16xf32>
        tpu.vector_store_idx %arg7[%broadcast_in_dim3A_124, %add3A_244], %mul3A_245 : memref<128x30xf32, #tpu.memory_space<vmem>>[vector<16xi32>, vector<16xi32>], vector<16xf32>,
        %get3A_246 = arith.constant 32 : index
        %get3A_247 = tpu.vector_load %arg11[%get3A_246] {strides = array<i32>} : memref<128xf32, #tpu.memory_space<vmem>>, vector<16xf32>,
        %max3A_248 = arith.maximumf %get3A_247, %broadcast_in_dim3A_33 : vector<16xf32>
        %div3A_249 = arith.divf %broadcast_in_dim3A_33, %max3A_248 : vector<16xf32>
        %get3A_250 = arith.constant 32 : index
        %get3A_251 = tpu.vector_load %arg8[%get3A_250] {strides = array<i32>} : memref<128xf32, #tpu.memory_space<vmem>>, vector<16xf32>,
        %add3A_252 = arith.addf %add3A_227, %get3A_251 : vector<16xf32>
        %broadcast_in_dim3A_253 = arith.constant 12 : i32
        %broadcast_in_dim3A_254 = vector.broadcast %broadcast_in_dim3A_253 : i32 to vector<16xi32>
        %add3A_255 = arith.addi %mul3A_122, %broadcast_in_dim3A_254 : vector<16xi32>
        %mul3A_256 = arith.mulf %get3A_251, %div3A_249 : vector<16xf32>
        tpu.vector_store_idx %arg7[%broadcast_in_dim3A_124, %add3A_255], %mul3A_256 : memref<128x30xf32, #tpu.memory_space<vmem>>[vector<16xi32>, vector<16xi32>], vector<16xf32>,
        %get3A_257 = arith.constant 32 : index
        %get3A_258 = tpu.vector_load %arg9[%get3A_257] {strides = array<i32>} : memref<128xf32, #tpu.memory_space<vmem>>, vector<16xf32>,
        %add3A_259 = arith.addf %add3A_234, %get3A_258 : vector<16xf32>
        %broadcast_in_dim3A_260 = arith.constant 13 : i32
        %broadcast_in_dim3A_261 = vector.broadcast %broadcast_in_dim3A_260 : i32 to vector<16xi32>
        %add3A_262 = arith.addi %mul3A_122, %broadcast_in_dim3A_261 : vector<16xi32>
        %mul3A_263 = arith.mulf %get3A_258, %div3A_249 : vector<16xf32>
        tpu.vector_store_idx %arg7[%broadcast_in_dim3A_124, %add3A_262], %mul3A_263 : memref<128x30xf32, #tpu.memory_space<vmem>>[vector<16xi32>, vector<16xi32>], vector<16xf32>,
        %get3A_264 = arith.constant 32 : index
        %get3A_265 = tpu.vector_load %arg10[%get3A_264] {strides = array<i32>} : memref<128xf32, #tpu.memory_space<vmem>>, vector<16xf32>,
        %add3A_266 = arith.addf %add3A_241, %get3A_265 : vector<16xf32>
        %broadcast_in_dim3A_267 = arith.constant 14 : i32
        %broadcast_in_dim3A_268 = vector.broadcast %broadcast_in_dim3A_267 : i32 to vector<16xi32>
        %add3A_269 = arith.addi %mul3A_122, %broadcast_in_dim3A_268 : vector<16xi32>
        %mul3A_270 = arith.mulf %get3A_265, %div3A_249 : vector<16xf32>
        tpu.vector_store_idx %arg7[%broadcast_in_dim3A_124, %add3A_269], %mul3A_270 : memref<128x30xf32, #tpu.memory_space<vmem>>[vector<16xi32>, vector<16xi32>], vector<16xf32>,
        %get3A_271 = arith.constant 48 : index
        %get3A_272 = tpu.vector_load %arg11[%get3A_271] {strides = array<i32>} : memref<128xf32, #tpu.memory_space<vmem>>, vector<16xf32>,
        %max3A_273 = arith.maximumf %get3A_272, %broadcast_in_dim3A_33 : vector<16xf32>
        %div3A_274 = arith.divf %broadcast_in_dim3A_33, %max3A_273 : vector<16xf32>
        %get3A_275 = arith.constant 48 : index
        %get3A_276 = tpu.vector_load %arg8[%get3A_275] {strides = array<i32>} : memref<128xf32, #tpu.memory_space<vmem>>, vector<16xf32>,
        %add3A_277 = arith.addf %add3A_252, %get3A_276 : vector<16xf32>
        %broadcast_in_dim3A_278 = arith.constant 15 : i32
        %broadcast_in_dim3A_279 = vector.broadcast %broadcast_in_dim3A_278 : i32 to vector<16xi32>
        %add3A_280 = arith.addi %mul3A_122, %broadcast_in_dim3A_279 : vector<16xi32>
        %mul3A_281 = arith.mulf %get3A_276, %div3A_274 : vector<16xf32>
        tpu.vector_store_idx %arg7[%broadcast_in_dim3A_124, %add3A_280], %mul3A_281 : memref<128x30xf32, #tpu.memory_space<vmem>>[vector<16xi32>, vector<16xi32>], vector<16xf32>,
        %get3A_282 = arith.constant 48 : index
        %get3A_283 = tpu.vector_load %arg9[%get3A_282] {strides = array<i32>} : memref<128xf32, #tpu.memory_space<vmem>>, vector<16xf32>,
        %add3A_284 = arith.addf %add3A_259, %get3A_283 : vector<16xf32>
        %broadcast_in_dim3A_285 = arith.constant 16 : i32
        %broadcast_in_dim3A_286 = vector.broadcast %broadcast_in_dim3A_285 : i32 to vector<16xi32>
        %add3A_287 = arith.addi %mul3A_122, %broadcast_in_dim3A_286 : vector<16xi32>
        %mul3A_288 = arith.mulf %get3A_283, %div3A_274 : vector<16xf32>
        tpu.vector_store_idx %arg7[%broadcast_in_dim3A_124, %add3A_287], %mul3A_288 : memref<128x30xf32, #tpu.memory_space<vmem>>[vector<16xi32>, vector<16xi32>], vector<16xf32>,
        %get3A_289 = arith.constant 48 : index
        %get3A_290 = tpu.vector_load %arg10[%get3A_289] {strides = array<i32>} : memref<128xf32, #tpu.memory_space<vmem>>, vector<16xf32>,
        %add3A_291 = arith.addf %add3A_266, %get3A_290 : vector<16xf32>
        %broadcast_in_dim3A_292 = arith.constant 17 : i32
        %broadcast_in_dim3A_293 = vector.broadcast %broadcast_in_dim3A_292 : i32 to vector<16xi32>
        %add3A_294 = arith.addi %mul3A_122, %broadcast_in_dim3A_293 : vector<16xi32>
        %mul3A_295 = arith.mulf %get3A_290, %div3A_274 : vector<16xf32>
        tpu.vector_store_idx %arg7[%broadcast_in_dim3A_124, %add3A_294], %mul3A_295 : memref<128x30xf32, #tpu.memory_space<vmem>>[vector<16xi32>, vector<16xi32>], vector<16xf32>,
        %get3A_296 = arith.constant 64 : index
        %get3A_297 = tpu.vector_load %arg11[%get3A_296] {strides = array<i32>} : memref<128xf32, #tpu.memory_space<vmem>>, vector<16xf32>,
        %max3A_298 = arith.maximumf %get3A_297, %broadcast_in_dim3A_33 : vector<16xf32>
        %div3A_299 = arith.divf %broadcast_in_dim3A_33, %max3A_298 : vector<16xf32>
        %get3A_300 = arith.constant 64 : index
        %get3A_301 = tpu.vector_load %arg8[%get3A_300] {strides = array<i32>} : memref<128xf32, #tpu.memory_space<vmem>>, vector<16xf32>,
        %add3A_302 = arith.addf %add3A_277, %get3A_301 : vector<16xf32>
        %broadcast_in_dim3A_303 = arith.constant 18 : i32
        %broadcast_in_dim3A_304 = vector.broadcast %broadcast_in_dim3A_303 : i32 to vector<16xi32>
        %add3A_305 = arith.addi %mul3A_122, %broadcast_in_dim3A_304 : vector<16xi32>
        %mul3A_306 = arith.mulf %get3A_301, %div3A_299 : vector<16xf32>
        tpu.vector_store_idx %arg7[%broadcast_in_dim3A_124, %add3A_305], %mul3A_306 : memref<128x30xf32, #tpu.memory_space<vmem>>[vector<16xi32>, vector<16xi32>], vector<16xf32>,
        %get3A_307 = arith.constant 64 : index
        %get3A_308 = tpu.vector_load %arg9[%get3A_307] {strides = array<i32>} : memref<128xf32, #tpu.memory_space<vmem>>, vector<16xf32>,
        %add3A_309 = arith.addf %add3A_284, %get3A_308 : vector<16xf32>
        %broadcast_in_dim3A_310 = arith.constant 19 : i32
        %broadcast_in_dim3A_311 = vector.broadcast %broadcast_in_dim3A_310 : i32 to vector<16xi32>
        %add3A_312 = arith.addi %mul3A_122, %broadcast_in_dim3A_311 : vector<16xi32>
        %mul3A_313 = arith.mulf %get3A_308, %div3A_299 : vector<16xf32>
        tpu.vector_store_idx %arg7[%broadcast_in_dim3A_124, %add3A_312], %mul3A_313 : memref<128x30xf32, #tpu.memory_space<vmem>>[vector<16xi32>, vector<16xi32>], vector<16xf32>,
        %get3A_314 = arith.constant 64 : index
        %get3A_315 = tpu.vector_load %arg10[%get3A_314] {strides = array<i32>} : memref<128xf32, #tpu.memory_space<vmem>>, vector<16xf32>,
        %add3A_316 = arith.addf %add3A_291, %get3A_315 : vector<16xf32>
        %broadcast_in_dim3A_317 = arith.constant 20 : i32
        %broadcast_in_dim3A_318 = vector.broadcast %broadcast_in_dim3A_317 : i32 to vector<16xi32>
        %add3A_319 = arith.addi %mul3A_122, %broadcast_in_dim3A_318 : vector<16xi32>
        %mul3A_320 = arith.mulf %get3A_315, %div3A_299 : vector<16xf32>
        tpu.vector_store_idx %arg7[%broadcast_in_dim3A_124, %add3A_319], %mul3A_320 : memref<128x30xf32, #tpu.memory_space<vmem>>[vector<16xi32>, vector<16xi32>], vector<16xf32>,
        %get3A_321 = arith.constant 80 : index
        %get3A_322 = tpu.vector_load %arg11[%get3A_321] {strides = array<i32>} : memref<128xf32, #tpu.memory_space<vmem>>, vector<16xf32>,
        %max3A_323 = arith.maximumf %get3A_322, %broadcast_in_dim3A_33 : vector<16xf32>
        %div3A_324 = arith.divf %broadcast_in_dim3A_33, %max3A_323 : vector<16xf32>
        %get3A_325 = arith.constant 80 : index
        %get3A_326 = tpu.vector_load %arg8[%get3A_325] {strides = array<i32>} : memref<128xf32, #tpu.memory_space<vmem>>, vector<16xf32>,
        %add3A_327 = arith.addf %add3A_302, %get3A_326 : vector<16xf32>
        %broadcast_in_dim3A_328 = arith.constant 21 : i32
        %broadcast_in_dim3A_329 = vector.broadcast %broadcast_in_dim3A_328 : i32 to vector<16xi32>
        %add3A_330 = arith.addi %mul3A_122, %broadcast_in_dim3A_329 : vector<16xi32>
        %mul3A_331 = arith.mulf %get3A_326, %div3A_324 : vector<16xf32>
        tpu.vector_store_idx %arg7[%broadcast_in_dim3A_124, %add3A_330], %mul3A_331 : memref<128x30xf32, #tpu.memory_space<vmem>>[vector<16xi32>, vector<16xi32>], vector<16xf32>,
        %get3A_332 = arith.constant 80 : index
        %get3A_333 = tpu.vector_load %arg9[%get3A_332] {strides = array<i32>} : memref<128xf32, #tpu.memory_space<vmem>>, vector<16xf32>,
        %add3A_334 = arith.addf %add3A_309, %get3A_333 : vector<16xf32>
        %broadcast_in_dim3A_335 = arith.constant 22 : i32
        %broadcast_in_dim3A_336 = vector.broadcast %broadcast_in_dim3A_335 : i32 to vector<16xi32>
        %add3A_337 = arith.addi %mul3A_122, %broadcast_in_dim3A_336 : vector<16xi32>
        %mul3A_338 = arith.mulf %get3A_333, %div3A_324 : vector<16xf32>
        tpu.vector_store_idx %arg7[%broadcast_in_dim3A_124, %add3A_337], %mul3A_338 : memref<128x30xf32, #tpu.memory_space<vmem>>[vector<16xi32>, vector<16xi32>], vector<16xf32>,
        %get3A_339 = arith.constant 80 : index
        %get3A_340 = tpu.vector_load %arg10[%get3A_339] {strides = array<i32>} : memref<128xf32, #tpu.memory_space<vmem>>, vector<16xf32>,
        %add3A_341 = arith.addf %add3A_316, %get3A_340 : vector<16xf32>
        %broadcast_in_dim3A_342 = arith.constant 23 : i32
        %broadcast_in_dim3A_343 = vector.broadcast %broadcast_in_dim3A_342 : i32 to vector<16xi32>
        %add3A_344 = arith.addi %mul3A_122, %broadcast_in_dim3A_343 : vector<16xi32>
        %mul3A_345 = arith.mulf %get3A_340, %div3A_324 : vector<16xf32>
        tpu.vector_store_idx %arg7[%broadcast_in_dim3A_124, %add3A_344], %mul3A_345 : memref<128x30xf32, #tpu.memory_space<vmem>>[vector<16xi32>, vector<16xi32>], vector<16xf32>,
        %get3A_346 = arith.constant 96 : index
        %get3A_347 = tpu.vector_load %arg11[%get3A_346] {strides = array<i32>} : memref<128xf32, #tpu.memory_space<vmem>>, vector<16xf32>,
        %max3A_348 = arith.maximumf %get3A_347, %broadcast_in_dim3A_33 : vector<16xf32>
        %div3A_349 = arith.divf %broadcast_in_dim3A_33, %max3A_348 : vector<16xf32>
        %get3A_350 = arith.constant 96 : index
        %get3A_351 = tpu.vector_load %arg8[%get3A_350] {strides = array<i32>} : memref<128xf32, #tpu.memory_space<vmem>>, vector<16xf32>,
        %add3A_352 = arith.addf %add3A_327, %get3A_351 : vector<16xf32>
        %broadcast_in_dim3A_353 = arith.constant 24 : i32
        %broadcast_in_dim3A_354 = vector.broadcast %broadcast_in_dim3A_353 : i32 to vector<16xi32>
        %add3A_355 = arith.addi %mul3A_122, %broadcast_in_dim3A_354 : vector<16xi32>
        %mul3A_356 = arith.mulf %get3A_351, %div3A_349 : vector<16xf32>
        tpu.vector_store_idx %arg7[%broadcast_in_dim3A_124, %add3A_355], %mul3A_356 : memref<128x30xf32, #tpu.memory_space<vmem>>[vector<16xi32>, vector<16xi32>], vector<16xf32>,
        %get3A_357 = arith.constant 96 : index
        %get3A_358 = tpu.vector_load %arg9[%get3A_357] {strides = array<i32>} : memref<128xf32, #tpu.memory_space<vmem>>, vector<16xf32>,
        %add3A_359 = arith.addf %add3A_334, %get3A_358 : vector<16xf32>
        %broadcast_in_dim3A_360 = arith.constant 25 : i32
        %broadcast_in_dim3A_361 = vector.broadcast %broadcast_in_dim3A_360 : i32 to vector<16xi32>
        %add3A_362 = arith.addi %mul3A_122, %broadcast_in_dim3A_361 : vector<16xi32>
        %mul3A_363 = arith.mulf %get3A_358, %div3A_349 : vector<16xf32>
        tpu.vector_store_idx %arg7[%broadcast_in_dim3A_124, %add3A_362], %mul3A_363 : memref<128x30xf32, #tpu.memory_space<vmem>>[vector<16xi32>, vector<16xi32>], vector<16xf32>,
        %get3A_364 = arith.constant 96 : index
        %get3A_365 = tpu.vector_load %arg10[%get3A_364] {strides = array<i32>} : memref<128xf32, #tpu.memory_space<vmem>>, vector<16xf32>,
        %add3A_366 = arith.addf %add3A_341, %get3A_365 : vector<16xf32>
        %broadcast_in_dim3A_367 = arith.constant 26 : i32
        %broadcast_in_dim3A_368 = vector.broadcast %broadcast_in_dim3A_367 : i32 to vector<16xi32>
        %add3A_369 = arith.addi %mul3A_122, %broadcast_in_dim3A_368 : vector<16xi32>
        %mul3A_370 = arith.mulf %get3A_365, %div3A_349 : vector<16xf32>
        tpu.vector_store_idx %arg7[%broadcast_in_dim3A_124, %add3A_369], %mul3A_370 : memref<128x30xf32, #tpu.memory_space<vmem>>[vector<16xi32>, vector<16xi32>], vector<16xf32>,
        %get3A_371 = arith.constant 112 : index
        %get3A_372 = tpu.vector_load %arg11[%get3A_371] {strides = array<i32>} : memref<128xf32, #tpu.memory_space<vmem>>, vector<16xf32>,
        %max3A_373 = arith.maximumf %get3A_372, %broadcast_in_dim3A_33 : vector<16xf32>
        %div3A_374 = arith.divf %broadcast_in_dim3A_33, %max3A_373 : vector<16xf32>
        %get3A_375 = arith.constant 112 : index
        %get3A_376 = tpu.vector_load %arg8[%get3A_375] {strides = array<i32>} : memref<128xf32, #tpu.memory_space<vmem>>, vector<16xf32>,
        %add3A_377 = arith.addf %add3A_352, %get3A_376 : vector<16xf32>
        %broadcast_in_dim3A_378 = arith.constant 27 : i32
        %broadcast_in_dim3A_379 = vector.broadcast %broadcast_in_dim3A_378 : i32 to vector<16xi32>
        %add3A_380 = arith.addi %mul3A_122, %broadcast_in_dim3A_379 : vector<16xi32>
        %mul3A_381 = arith.mulf %get3A_376, %div3A_374 : vector<16xf32>
        tpu.vector_store_idx %arg7[%broadcast_in_dim3A_124, %add3A_380], %mul3A_381 : memref<128x30xf32, #tpu.memory_space<vmem>>[vector<16xi32>, vector<16xi32>], vector<16xf32>,
        %get3A_382 = arith.constant 112 : index
        %get3A_383 = tpu.vector_load %arg9[%get3A_382] {strides = array<i32>} : memref<128xf32, #tpu.memory_space<vmem>>, vector<16xf32>,
        %add3A_384 = arith.addf %add3A_359, %get3A_383 : vector<16xf32>
        %broadcast_in_dim3A_385 = arith.constant 28 : i32
        %broadcast_in_dim3A_386 = vector.broadcast %broadcast_in_dim3A_385 : i32 to vector<16xi32>
        %add3A_387 = arith.addi %mul3A_122, %broadcast_in_dim3A_386 : vector<16xi32>
        %mul3A_388 = arith.mulf %get3A_383, %div3A_374 : vector<16xf32>
        tpu.vector_store_idx %arg7[%broadcast_in_dim3A_124, %add3A_387], %mul3A_388 : memref<128x30xf32, #tpu.memory_space<vmem>>[vector<16xi32>, vector<16xi32>], vector<16xf32>,
        %get3A_389 = arith.constant 112 : index
        %get3A_390 = tpu.vector_load %arg10[%get3A_389] {strides = array<i32>} : memref<128xf32, #tpu.memory_space<vmem>>, vector<16xf32>,
        %add3A_391 = arith.addf %add3A_366, %get3A_390 : vector<16xf32>
        %broadcast_in_dim3A_392 = arith.constant 29 : i32
        %broadcast_in_dim3A_393 = vector.broadcast %broadcast_in_dim3A_392 : i32 to vector<16xi32>
        %add3A_394 = arith.addi %mul3A_122, %broadcast_in_dim3A_393 : vector<16xi32>
        %mul3A_395 = arith.mulf %get3A_390, %div3A_374 : vector<16xf32>
        tpu.vector_store_idx %arg7[%broadcast_in_dim3A_124, %add3A_394], %mul3A_395 : memref<128x30xf32, #tpu.memory_space<vmem>>[vector<16xi32>, vector<16xi32>], vector<16xf32>,
        %broadcast_in_dim3A_396 = arith.constant 1.562500e-02 : f32
        %broadcast_in_dim3A_397 = vector.broadcast %broadcast_in_dim3A_396 : f32 to vector<16xf32>
        %broadcast_in_dim3A_398 = arith.constant 0.0158730168 : f32
        %broadcast_in_dim3A_399 = vector.broadcast %broadcast_in_dim3A_398 : f32 to vector<16xf32>
        %broadcast_in_dim3A_400 = arith.constant 1.000000e-30 : f32
        %broadcast_in_dim3A_401 = vector.broadcast %broadcast_in_dim3A_400 : f32 to vector<16xf32>
        %mul3A_402 = arith.mulf %add3A_377, %broadcast_in_dim3A_397 : vector<16xf32>
        %mul3A_403 = arith.mulf %add3A_377, %mul3A_402 : vector<16xf32>
        %sub3A_404 = arith.subf %scan3A_196#1, %mul3A_403 : vector<16xf32>
        %mul3A_405 = arith.mulf %sub3A_404, %broadcast_in_dim3A_399 : vector<16xf32>
        %max3A_406 = arith.maximumf %mul3A_405, %broadcast_in_dim3A_35 : vector<16xf32>
        %max3A_407 = arith.maximumf %max3A_406, %broadcast_in_dim3A_401 : vector<16xf32>
        %bitcast3A = vector.bitcast %max3A_407 : vector<16xf32> to vector<16xi32>
        %broadcast_in_dim3A_408 = arith.constant 1597463007 : i32
        %broadcast_in_dim3A_409 = vector.broadcast %broadcast_in_dim3A_408 : i32 to vector<16xi32>
        %broadcast_in_dim3A_410 = arith.constant 1 : i32
        %broadcast_in_dim3A_411 = vector.broadcast %broadcast_in_dim3A_410 : i32 to vector<16xi32>
        %shift_right_arithmetic3A = arith.shrsi %bitcast3A, %broadcast_in_dim3A_411 : vector<16xi32>
        %sub3A_412 = arith.subi %broadcast_in_dim3A_409, %shift_right_arithmetic3A : vector<16xi32>
        %bitcast3A_413 = vector.bitcast %sub3A_412 : vector<16xi32> to vector<16xf32>
        %broadcast_in_dim3A_414 = arith.constant 5.000000e-01 : f32
        %broadcast_in_dim3A_415 = vector.broadcast %broadcast_in_dim3A_414 : f32 to vector<16xf32>
        %broadcast_in_dim3A_416 = arith.constant 1.500000e+00 : f32
        %broadcast_in_dim3A_417 = vector.broadcast %broadcast_in_dim3A_416 : f32 to vector<16xf32>
        %mul3A_418 = arith.mulf %broadcast_in_dim3A_415, %max3A_407 : vector<16xf32>
        %mul3A_419 = arith.mulf %mul3A_418, %bitcast3A_413 : vector<16xf32>
        %mul3A_420 = arith.mulf %mul3A_419, %bitcast3A_413 : vector<16xf32>
        %sub3A_421 = arith.subf %broadcast_in_dim3A_417, %mul3A_420 : vector<16xf32>
        %mul3A_422 = arith.mulf %bitcast3A_413, %sub3A_421 : vector<16xf32>
        %mul3A_423 = arith.mulf %broadcast_in_dim3A_415, %max3A_407 : vector<16xf32>
        %mul3A_424 = arith.mulf %mul3A_423, %mul3A_422 : vector<16xf32>
        %mul3A_425 = arith.mulf %mul3A_424, %mul3A_422 : vector<16xf32>
        %sub3A_426 = arith.subf %broadcast_in_dim3A_417, %mul3A_425 : vector<16xf32>
        %mul3A_427 = arith.mulf %mul3A_422, %sub3A_426 : vector<16xf32>
        %mul3A_428 = arith.mulf %broadcast_in_dim3A_415, %max3A_407 : vector<16xf32>
        %mul3A_429 = arith.mulf %mul3A_428, %mul3A_427 : vector<16xf32>
        %mul3A_430 = arith.mulf %mul3A_429, %mul3A_427 : vector<16xf32>
        %sub3A_431 = arith.subf %broadcast_in_dim3A_417, %mul3A_430 : vector<16xf32>
        %mul3A_432 = arith.mulf %mul3A_427, %sub3A_431 : vector<16xf32>
        %mul3A_433 = arith.mulf %max3A_406, %mul3A_432 : vector<16xf32>
        %broadcast_in_dim3A_434 = arith.constant 0 : i32
        %broadcast_in_dim3A_435 = vector.broadcast %broadcast_in_dim3A_434 : i32 to vector<16xi32>
        %add3A_436 = arith.addi %mul3A_122, %broadcast_in_dim3A_435 : vector<16xi32>
        tpu.vector_store_idx %arg7[%broadcast_in_dim3A_124, %add3A_436], %mul3A_433 : memref<128x30xf32, #tpu.memory_space<vmem>>[vector<16xi32>, vector<16xi32>], vector<16xf32>,
        %mul3A_437 = arith.mulf %add3A_384, %broadcast_in_dim3A_397 : vector<16xf32>
        %mul3A_438 = arith.mulf %add3A_384, %mul3A_437 : vector<16xf32>
        %sub3A_439 = arith.subf %scan3A_196#2, %mul3A_438 : vector<16xf32>
        %mul3A_440 = arith.mulf %sub3A_439, %broadcast_in_dim3A_399 : vector<16xf32>
        %max3A_441 = arith.maximumf %mul3A_440, %broadcast_in_dim3A_35 : vector<16xf32>
        %max3A_442 = arith.maximumf %max3A_441, %broadcast_in_dim3A_401 : vector<16xf32>
        %bitcast3A_443 = vector.bitcast %max3A_442 : vector<16xf32> to vector<16xi32>
        %broadcast_in_dim3A_444 = arith.constant 1597463007 : i32
        %broadcast_in_dim3A_445 = vector.broadcast %broadcast_in_dim3A_444 : i32 to vector<16xi32>
        %broadcast_in_dim3A_446 = arith.constant 1 : i32
        %broadcast_in_dim3A_447 = vector.broadcast %broadcast_in_dim3A_446 : i32 to vector<16xi32>
        %shift_right_arithmetic3A_448 = arith.shrsi %bitcast3A_443, %broadcast_in_dim3A_447 : vector<16xi32>
        %sub3A_449 = arith.subi %broadcast_in_dim3A_445, %shift_right_arithmetic3A_448 : vector<16xi32>
        %bitcast3A_450 = vector.bitcast %sub3A_449 : vector<16xi32> to vector<16xf32>
        %broadcast_in_dim3A_451 = arith.constant 5.000000e-01 : f32
        %broadcast_in_dim3A_452 = vector.broadcast %broadcast_in_dim3A_451 : f32 to vector<16xf32>
        %broadcast_in_dim3A_453 = arith.constant 1.500000e+00 : f32
        %broadcast_in_dim3A_454 = vector.broadcast %broadcast_in_dim3A_453 : f32 to vector<16xf32>
        %mul3A_455 = arith.mulf %broadcast_in_dim3A_452, %max3A_442 : vector<16xf32>
        %mul3A_456 = arith.mulf %mul3A_455, %bitcast3A_450 : vector<16xf32>
        %mul3A_457 = arith.mulf %mul3A_456, %bitcast3A_450 : vector<16xf32>
        %sub3A_458 = arith.subf %broadcast_in_dim3A_454, %mul3A_457 : vector<16xf32>
        %mul3A_459 = arith.mulf %bitcast3A_450, %sub3A_458 : vector<16xf32>
        %mul3A_460 = arith.mulf %broadcast_in_dim3A_452, %max3A_442 : vector<16xf32>
        %mul3A_461 = arith.mulf %mul3A_460, %mul3A_459 : vector<16xf32>
        %mul3A_462 = arith.mulf %mul3A_461, %mul3A_459 : vector<16xf32>
        %sub3A_463 = arith.subf %broadcast_in_dim3A_454, %mul3A_462 : vector<16xf32>
        %mul3A_464 = arith.mulf %mul3A_459, %sub3A_463 : vector<16xf32>
        %mul3A_465 = arith.mulf %broadcast_in_dim3A_452, %max3A_442 : vector<16xf32>
        %mul3A_466 = arith.mulf %mul3A_465, %mul3A_464 : vector<16xf32>
        %mul3A_467 = arith.mulf %mul3A_466, %mul3A_464 : vector<16xf32>
        %sub3A_468 = arith.subf %broadcast_in_dim3A_454, %mul3A_467 : vector<16xf32>
        %mul3A_469 = arith.mulf %mul3A_464, %sub3A_468 : vector<16xf32>
        %mul3A_470 = arith.mulf %max3A_441, %mul3A_469 : vector<16xf32>
        %broadcast_in_dim3A_471 = arith.constant 1 : i32
        %broadcast_in_dim3A_472 = vector.broadcast %broadcast_in_dim3A_471 : i32 to vector<16xi32>
        %add3A_473 = arith.addi %mul3A_122, %broadcast_in_dim3A_472 : vector<16xi32>
        tpu.vector_store_idx %arg7[%broadcast_in_dim3A_124, %add3A_473], %mul3A_470 : memref<128x30xf32, #tpu.memory_space<vmem>>[vector<16xi32>, vector<16xi32>], vector<16xf32>,
        %mul3A_474 = arith.mulf %add3A_391, %broadcast_in_dim3A_397 : vector<16xf32>
        %mul3A_475 = arith.mulf %add3A_391, %mul3A_474 : vector<16xf32>
        %sub3A_476 = arith.subf %scan3A_196#3, %mul3A_475 : vector<16xf32>
        %mul3A_477 = arith.mulf %sub3A_476, %broadcast_in_dim3A_399 : vector<16xf32>
        %max3A_478 = arith.maximumf %mul3A_477, %broadcast_in_dim3A_35 : vector<16xf32>
        %max3A_479 = arith.maximumf %max3A_478, %broadcast_in_dim3A_401 : vector<16xf32>
        %bitcast3A_480 = vector.bitcast %max3A_479 : vector<16xf32> to vector<16xi32>
        %broadcast_in_dim3A_481 = arith.constant 1597463007 : i32
        %broadcast_in_dim3A_482 = vector.broadcast %broadcast_in_dim3A_481 : i32 to vector<16xi32>
        %broadcast_in_dim3A_483 = arith.constant 1 : i32
        %broadcast_in_dim3A_484 = vector.broadcast %broadcast_in_dim3A_483 : i32 to vector<16xi32>
        %shift_right_arithmetic3A_485 = arith.shrsi %bitcast3A_480, %broadcast_in_dim3A_484 : vector<16xi32>
        %sub3A_486 = arith.subi %broadcast_in_dim3A_482, %shift_right_arithmetic3A_485 : vector<16xi32>
        %bitcast3A_487 = vector.bitcast %sub3A_486 : vector<16xi32> to vector<16xf32>
        %broadcast_in_dim3A_488 = arith.constant 5.000000e-01 : f32
        %broadcast_in_dim3A_489 = vector.broadcast %broadcast_in_dim3A_488 : f32 to vector<16xf32>
        %broadcast_in_dim3A_490 = arith.constant 1.500000e+00 : f32
        %broadcast_in_dim3A_491 = vector.broadcast %broadcast_in_dim3A_490 : f32 to vector<16xf32>
        %mul3A_492 = arith.mulf %broadcast_in_dim3A_489, %max3A_479 : vector<16xf32>
        %mul3A_493 = arith.mulf %mul3A_492, %bitcast3A_487 : vector<16xf32>
        %mul3A_494 = arith.mulf %mul3A_493, %bitcast3A_487 : vector<16xf32>
        %sub3A_495 = arith.subf %broadcast_in_dim3A_491, %mul3A_494 : vector<16xf32>
        %mul3A_496 = arith.mulf %bitcast3A_487, %sub3A_495 : vector<16xf32>
        %mul3A_497 = arith.mulf %broadcast_in_dim3A_489, %max3A_479 : vector<16xf32>
        %mul3A_498 = arith.mulf %mul3A_497, %mul3A_496 : vector<16xf32>
        %mul3A_499 = arith.mulf %mul3A_498, %mul3A_496 : vector<16xf32>
        %sub3A_500 = arith.subf %broadcast_in_dim3A_491, %mul3A_499 : vector<16xf32>
        %mul3A_501 = arith.mulf %mul3A_496, %sub3A_500 : vector<16xf32>
        %mul3A_502 = arith.mulf %broadcast_in_dim3A_489, %max3A_479 : vector<16xf32>
        %mul3A_503 = arith.mulf %mul3A_502, %mul3A_501 : vector<16xf32>
        %mul3A_504 = arith.mulf %mul3A_503, %mul3A_501 : vector<16xf32>
        %sub3A_505 = arith.subf %broadcast_in_dim3A_491, %mul3A_504 : vector<16xf32>
        %mul3A_506 = arith.mulf %mul3A_501, %sub3A_505 : vector<16xf32>
        %mul3A_507 = arith.mulf %max3A_478, %mul3A_506 : vector<16xf32>
        %broadcast_in_dim3A_508 = arith.constant 2 : i32
        %broadcast_in_dim3A_509 = vector.broadcast %broadcast_in_dim3A_508 : i32 to vector<16xi32>
        %add3A_510 = arith.addi %mul3A_122, %broadcast_in_dim3A_509 : vector<16xi32>
        tpu.vector_store_idx %arg7[%broadcast_in_dim3A_124, %add3A_510], %mul3A_507 : memref<128x30xf32, #tpu.memory_space<vmem>>[vector<16xi32>, vector<16xi32>], vector<16xf32>,
        %broadcast_in_dim3A_511 = arith.constant 0 : i32
        %broadcast_in_dim3A_512 = vector.broadcast %broadcast_in_dim3A_511 : i32 to vector<16xi32>
        %add3A_513 = arith.addi %mul3A_122, %broadcast_in_dim3A_512 : vector<16xi32>
        %gather3A = tpu.vector_load_idx %arg6[%broadcast_in_dim3A_124, %add3A_513] : memref<128x3xf32, #tpu.memory_space<vmem>>[vector<16xi32>, vector<16xi32>], vector<16xf32>,
        %broadcast_in_dim3A_514 = arith.constant 3 : i32
        %broadcast_in_dim3A_515 = vector.broadcast %broadcast_in_dim3A_514 : i32 to vector<16xi32>
        %add3A_516 = arith.addi %mul3A_122, %broadcast_in_dim3A_515 : vector<16xi32>
        tpu.vector_store_idx %arg7[%broadcast_in_dim3A_124, %add3A_516], %gather3A : memref<128x30xf32, #tpu.memory_space<vmem>>[vector<16xi32>, vector<16xi32>], vector<16xf32>,
        %broadcast_in_dim3A_517 = arith.constant 1 : i32
        %broadcast_in_dim3A_518 = vector.broadcast %broadcast_in_dim3A_517 : i32 to vector<16xi32>
        %add3A_519 = arith.addi %mul3A_122, %broadcast_in_dim3A_518 : vector<16xi32>
        %gather3A_520 = tpu.vector_load_idx %arg6[%broadcast_in_dim3A_124, %add3A_519] : memref<128x3xf32, #tpu.memory_space<vmem>>[vector<16xi32>, vector<16xi32>], vector<16xf32>,
        %broadcast_in_dim3A_521 = arith.constant 4 : i32
        %broadcast_in_dim3A_522 = vector.broadcast %broadcast_in_dim3A_521 : i32 to vector<16xi32>
        %add3A_523 = arith.addi %mul3A_122, %broadcast_in_dim3A_522 : vector<16xi32>
        tpu.vector_store_idx %arg7[%broadcast_in_dim3A_124, %add3A_523], %gather3A_520 : memref<128x30xf32, #tpu.memory_space<vmem>>[vector<16xi32>, vector<16xi32>], vector<16xf32>,
        %broadcast_in_dim3A_524 = arith.constant 2 : i32
        %broadcast_in_dim3A_525 = vector.broadcast %broadcast_in_dim3A_524 : i32 to vector<16xi32>
        %add3A_526 = arith.addi %mul3A_122, %broadcast_in_dim3A_525 : vector<16xi32>
        %gather3A_527 = tpu.vector_load_idx %arg6[%broadcast_in_dim3A_124, %add3A_526] : memref<128x3xf32, #tpu.memory_space<vmem>>[vector<16xi32>, vector<16xi32>], vector<16xf32>,
        %broadcast_in_dim3A_528 = arith.constant 5 : i32
        %broadcast_in_dim3A_529 = vector.broadcast %broadcast_in_dim3A_528 : i32 to vector<16xi32>
        %add3A_530 = arith.addi %mul3A_122, %broadcast_in_dim3A_529 : vector<16xi32>
        tpu.vector_store_idx %arg7[%broadcast_in_dim3A_124, %add3A_530], %gather3A_527 : memref<128x30xf32, #tpu.memory_space<vmem>>[vector<16xi32>, vector<16xi32>], vector<16xf32>,
        %scan3A_531 = arith.constant 0 : i32
        scf.yield %scan3A_531 : i32
      }
      %scan3A_106 = arith.constant 8 : i32
      %dma_start3A_107 = arith.constant 0 : i32
      %dma_start3A_108 = tpu.memref_slice %arg4[%select_n3A, %add3A_70, %dma_start3A_107] : memref<16x4096x30xf32, #tpu.memory_space<hbm>> -> memref<1x128x30xf32, #tpu.memory_space<hbm>>
      %dma_start3A_109 = tpu.memref_squeeze %dma_start3A_108 : memref<1x128x30xf32, #tpu.memory_space<hbm>> -> memref<128x30xf32, #tpu.memory_space<hbm>>
      %dma_start3A_110 = arith.constant 0 : i32
      %dma_start3A_111 = tpu.memref_slice %arg4[%select_n3A, %add3A_70, %dma_start3A_110] : memref<16x4096x30xf32, #tpu.memory_space<hbm>> -> memref<1x128x30xf32, #tpu.memory_space<hbm>>
      %dma_start3A_112 = tpu.memref_squeeze %dma_start3A_111 : memref<1x128x30xf32, #tpu.memory_space<hbm>> -> memref<128x30xf32, #tpu.memory_space<hbm>>
      tpu.enqueue_dma source(%arg7 : memref<128x30xf32, #tpu.memory_space<vmem>>) target(%dma_start3A_112 : memref<128x30xf32, #tpu.memory_space<hbm>>) target_semaphore(%arg13 : memref<!tpu.dma_semaphore, #tpu.memory_space<semaphore_mem>>)
      %scan3A_113 = arith.constant 0 : i32
      scf.yield %scan3A_113 : i32
    }
    %scan3A_60 = arith.constant 16 : i32
    %dma_wait3A = arith.constant 0 : i32
    %dma_wait3A_61 = tpu.memref_slice %arg4[%select_n3A, %mul3A_32, %dma_wait3A] : memref<16x4096x30xf32, #tpu.memory_space<hbm>> -> memref<1x128x30xf32, #tpu.memory_space<hbm>>
    %dma_wait3A_62 = tpu.memref_squeeze %dma_wait3A_61 : memref<1x128x30xf32, #tpu.memory_space<hbm>> -> memref<128x30xf32, #tpu.memory_space<hbm>>
    %dma_wait3A_63 = arith.constant 0 : i32
    %dma_wait3A_64 = tpu.memref_slice %arg4[%select_n3A, %mul3A_32, %dma_wait3A_63] : memref<16x4096x30xf32, #tpu.memory_space<hbm>> -> memref<1x128x30xf32, #tpu.memory_space<hbm>>
    %dma_wait3A_65 = tpu.memref_squeeze %dma_wait3A_64 : memref<1x128x30xf32, #tpu.memory_space<hbm>> -> memref<128x30xf32, #tpu.memory_space<hbm>>
    tpu.wait_dma2 semaphore(%arg13 : memref<!tpu.dma_semaphore, #tpu.memory_space<semaphore_mem>>) src(%arg7 : memref<128x30xf32, #tpu.memory_space<vmem>>) dst(%dma_wait3A_65 : memref<128x30xf32, #tpu.memory_space<hbm>>)
    return
  }
}

</mosaic_0001>

<sc_bundles>
// kernel: kernel.3.cloned.1.call-start
scs
__scs_entry_jumppad:
0x0: {  	(pc) =	sbr.rel $0x88, $3  }
0x1: {  	(tag) =	ssettag $0x0;
	lr =	simm.s32 $0x1  }
0x2: {  	[smem:$0x3F9F] =	sst lr;
	_ =	strace $0xD0000000  }
0x3: {  	_ = 	snop  }
0x4: {  	_ = 	snop  }
0x5: {  	_ = 	snop  }
0x6: {  	_ = 	snop  }
0x7: {  	_ = 	snop  }
__scs_overlays_trampoline_lowered:
0x8: {  	[smem:$0x3FAE] =	sst s0  }
0x9: {  	[smem:$0x3FAF] =	sst s1  }
0xa: {  	[smem:$0x3FB0] =	sst s2  }
0xb: {  	[smem:$0x3FB1] =	sst s3  }
0xc: {  	[smem:$0x3FB2] =	sst s4  }
0xd: {  	[smem:$0x3FB3] =	sst s5  }
0xe: {  	[smem:$0x3FB4] =	sst s6  }
0xf: {  	[smem:$0x3FB5] =	sst s7  }
0x10: {  	[smem:$0x3FB6] =	sst s8  }
0x11: {  	[smem:$0x3FB7] =	sst s9;
	s0 =	simm.s32 @!p0 $0x0  }
0x12: {  	s1 =	sld [smem:$0x3F9D];
	s0 =	simm.s32 @p0 $0x1  }
0x13: {  	[smem:$0x3FB8] =	sst s0;
	s0 =	simm.s32 @!p1 $0x0  }
0x14: {  	s2 =	sld [smem:$0x3F9C];
	s0 =	simm.s32 @p1 $0x1  }
0x15: {  	[smem:$0x3FB9] =	sst s0;
	s0 =	simm.s32 @!p2 $0x0  }
0x16: {  	s3 =	sld [smem:$0x3FDB];
	s0 =	simm.s32 @p2 $0x1  }
0x17: {  	s4 =	simm.s32 $0x1BF5;
	[smem:$0x3FBB] =	sst s0  }
0x18: {  	s0 =	sld [smem:$0x3F9E];
	_ =	swait.ge [sflag:s4], $0x0  }
0x19: {  	s7 =	sld [smem:$0x3F9F]  }
0x1a: {  	s8 =	sadd.s32 $0xFFFFE003, lr  }
0x1b: {  	s9 =	sadd.s32 $0xFFFFFEF7, lr;
	s5 =	simm.s32 $0xFFFFFFFF;
	p2 =	slt.u32 s8, $0xFFFFF086  }
0x1c: {  	p1 =	slt.u32 s9, $0xF7A;
	s5 =	simm.s32 @!p2 $0x0  }
0x1d: {  	s5 =	simm.s32 @p1 $0x1;
	p0 =	seq.s32 s7, s2  }
0x1e: {  	s7 =	smul.u32 @!p0 $0xF7A, s2;
	p2 =	seq.s32 @!p0 s5, $0x0  }
0x1f: {  	s9 =	smul.u32 $0xF7A, s1;
	s8 =	simm.s32 @!p0 $0x1BF5;
	p2 =	por !p2, p0  }
0x20: {  	[sflag:s8] =	ssyncset.s32 @!p0 $0xFFFFF086;
	s6 =	sadd.s32 @!p0 s3, s7;
	s7 =	simm.s32 @!p0 $0x108  }
0x21: {  	s3 =	sadd.s32 s3, s9;
	s6 =	sadd.s32 @!p0 $0x88, s6;
	s7 =	simm.s32 @p2 $0x1082  }
0x22: {  	[simem:s7], [sflag:s8] =	dma.local @!p0 [hbm:s6], $0xF7A  }
0x23: {  	s9 =	sor.u32 $0xD0000000, s2;
	s6 =	simm.s32 $0x108;
	_ =	swait.ge @!p0 [sflag:s8], $0x0  }
0x24: {  	s3 =	sadd.s32 $0x88, s3;
	s6 =	simm.s32 @!p1 $0x1082;
	[sflag:s4] =	ssyncset.s32 $0xFFFFF086  }
0x25: {  	[simem:s6], [sflag:s4] =	dma.local [hbm:s3], $0xF7A  }
0x26: {  	[smem:$0x3F9F] =	sst s1;
	(tag) =	ssettag s2;
	_ =	strace s9  }
0x27: {  	s1 =	sld [smem:$0x3FAF]  }
0x28: {  	s2 =	sld [smem:$0x3FB0]  }
0x29: {  	s4 =	sld [smem:$0x3FB2]  }
0x2a: {  	p0 =	seq.s32 s5, $0x0;
	s5 =	sld [smem:$0x3FB3]  }
0x2b: {  	s6 =	sld [smem:$0x3FB4]  }
0x2c: {  	s7 =	sld [smem:$0x3FB5]  }
0x2d: {  	s3 =	simm.s32 $0x108;
	s8 =	sld [smem:$0x3FB6]  }
0x2e: {  	s3 =	simm.s32 @!p0 $0x1082;
	s9 =	sld [smem:$0x3FB7]  }
0x2f: {  	lr =	sadd.s32 s0, s3;
	s0 =	sld [smem:$0x3FAE]  }
0x30: {  	s3 =	sld [smem:$0x3FB1]  }
0x31: {  	[smem:$0x3FBA] =	sst s10  }
0x32: {  	s10 =	sld [smem:$0x3FB8];
	_ =	sdelay $0x3  }
0x33: {  	p0 =	seq.s32 s10, $0x1;
	s10 =	sld [smem:$0x3FBA];
	_ =	sdelay $0x3  }
0x34: {  	[smem:$0x3FBA] =	sst s10  }
0x35: {  	s10 =	sld [smem:$0x3FB9];
	_ =	sdelay $0x3  }
0x36: {  	p1 =	seq.s32 s10, $0x1;
	s10 =	sld [smem:$0x3FBA];
	_ =	sdelay $0x3  }
0x37: {  	[smem:$0x3FBA] =	sst s10  }
0x38: {  	s10 =	sld [smem:$0x3FBB]  }
0x39: {  	_ = 	snop;
	(pc) =	sbr.ind lr, $3  }
0x3a: {  	_ = 	snop  }
0x3b: {  	_ = 	snop  }
0x3c: {  	p2 =	seq.s32 s10, $0x1;
	s10 =	sld [smem:$0x3FBA]  }
0x3d: {  	_ =	shalt  }
0x3e: {  	_ =	shalt  }
0x3f: {  	_ =	shalt  }
0x40: {  	_ =	shalt  }
0x41: {  	_ =	shalt  }
0x42: {  	_ =	shalt  }
0x43: {  	_ =	shalt  }
0x44: {  	_ =	shalt  }
0x45: {  	_ =	shalt  }
0x46: {  	_ =	shalt  }
0x47: {  	_ =	shalt  }
0x48: {  	_ =	shalt  }
0x49: {  	_ =	shalt  }
0x4a: {  	_ =	shalt  }
0x4b: {  	_ =	shalt  }
0x4c: {  	_ =	shalt  }
0x4d: {  	_ =	shalt  }
0x4e: {  	_ =	shalt  }
0x4f: {  	_ =	shalt  }
0x50: {  	_ =	shalt  }
0x51: {  	_ =	shalt  }
0x52: {  	_ =	shalt  }
0x53: {  	_ =	shalt  }
0x54: {  	_ =	shalt  }
0x55: {  	_ =	shalt  }
0x56: {  	_ =	shalt  }
0x57: {  	_ =	shalt  }
0x58: {  	_ =	shalt  }
0x59: {  	_ =	shalt  }
0x5a: {  	_ =	shalt  }
0x5b: {  	_ =	shalt  }
0x5c: {  	_ =	shalt  }
0x5d: {  	_ =	shalt  }
0x5e: {  	_ =	shalt  }
0x5f: {  	_ =	shalt  }
0x60: {  	_ =	shalt  }
0x61: {  	_ =	shalt  }
0x62: {  	_ =	shalt  }
0x63: {  	_ =	shalt  }
0x64: {  	_ =	shalt  }
0x65: {  	_ =	shalt  }
0x66: {  	_ =	shalt  }
0x67: {  	_ =	shalt  }
0x68: {  	_ =	shalt  }
0x69: {  	_ =	shalt  }
0x6a: {  	_ =	shalt  }
0x6b: {  	_ =	shalt  }
0x6c: {  	_ =	shalt  }
0x6d: {  	_ =	shalt  }
0x6e: {  	_ =	shalt  }
0x6f: {  	_ =	shalt  }
0x70: {  	_ =	shalt  }
0x71: {  	_ =	shalt  }
0x72: {  	_ =	shalt  }
0x73: {  	_ =	shalt  }
0x74: {  	_ =	shalt  }
0x75: {  	_ =	shalt  }
0x76: {  	_ =	shalt  }
0x77: {  	_ =	shalt  }
0x78: {  	_ =	shalt  }
0x79: {  	_ =	shalt  }
0x7a: {  	_ =	shalt  }
0x7b: {  	_ =	shalt  }
0x7c: {  	_ =	shalt  }
0x7d: {  	_ =	shalt  }
0x7e: {  	_ =	shalt  }
0x7f: {  	_ =	shalt  }
0x80: {  	_ =	shalt  }
0x81: {  	_ =	shalt  }
0x82: {  	_ =	shalt  }
0x83: {  	_ =	shalt  }
0x84: {  	_ =	shalt  }
0x85: {  	_ =	shalt  }
0x86: {  	_ =	shalt  }
0x87: {  	_ =	shalt  }
.Lfunc_end0:
.L_simem_size_0:
called_computation_lowered:
.L_overlay_start_0:
0x88: {  	s2 =	sld [smem:$0x3FD9]  }
0x89: {  	s3 =	sld [smem:$0x3FFE];
	_ =	sdelay $0x1  }
0x8a: {  	s1 =	srdreg.scid  }
0x8b: {  	s0 =	sand.u32 $0x1, s1  }
0x8c: {  	s16 =	sshll.u32 s0, $0xA;
	s2 =	sadd.s32 s3, s2  }
0x8d: {  	s2 =	sadd.s32 s2, s16  }
0x8e: {  	[smem:$0x3FC6] =	sst s2  }
0x8f: {  	_ = 	snop  }
0x90: {  	(tm) =	ssettm $0x1  }
0x91: {  	s17 =	sld [smem:$0x3FFB];
	_ =	sdelay $0x3  }
0x92: {  	_ =	strace s17  }
0x93: {  	s2 =	sld [smem:$0x3FFC];
	_ =	sdelay $0x3  }
0x94: {  	_ =	strace s2  }
0x95: {  	s2 =	sld [smem:$0x3FFD];
	_ =	sdelay $0x3  }
0x96: {  	_ =	strace s2  }
0x97: {  	_ =	strace $0x8FFFFFFF  }
0x98: {  	s18 =	sld [smem:$0x3FDB];
	_ =	sdelay $0x1  }
0x99: {  	s19 =	simm.s32 $_scs_section_size  }
0x9a: {  	s4 =	simm.s32 $_size__tile_overlayer_lowered;
	s5 =	simm.s32 $_tile_overlayer_lowered  }
0x9b: {  	s22 =	simm.s32 $0x1BFF;
	s21 =	sshll.u32 s5, $0x1;
	s2 =	sadd.s32 s19, s18  }
0x9c: {  	s6 =	simm.s32 $0x0;
	s20 =	sshll.u32 s4, $0x1;
	s4 =	sadd.s32 s21, s2  }
0x9d: {  	[timem:s6], [sflag:s22] =	dma.local [hbm:s4], s20  }
0x9e: {  	_ =	swait.ge [sflag:s22], s20  }
0x9f: {  	s3 =	ssub.s32 $0x0, s20;
	[sflag:s22] =	ssyncset.done $0x0  }
0xa0: {  	[sflag:s22] =	ssyncadd.s32 s3;
	_ =	sdelay $0x1  }
0xa1: {  	s23 =	simm.s32 $0x1B8B  }
0xa2: {  	_ =	swait.ge [sflag:s23], $0x1  }
0xa3: {  	[sflag:s23] =	ssyncset.done $0x0  }
0xa4: {  	s25 =	simm.s32 $0x1B8E;
	s24 =	sld [smem:$0x3FFE];
	[sflag:s23] =	ssyncadd.s32 $0xFFFFFFFF  }
0xa5: {  	s26 =	simm.s32 $execute0_lowered;
	[smem:$0x3FD2] =	sst s25  }
0xa6: {  	s4 =	sshll.u32 s26, $0x1;
	_ =	strace $0x80000046;
	[dreg:$0x1] =	wrdreg $0xFFFFFFFF  }
0xa7: {  	s28 =	simm.s32 $_size_execute0_lowered;
	s2 =	sadd.s32 s2, s4;
	[dreg:$0x0] =	wrdreg $0x0  }
0xa8: {  	s4 =	sshll.u32 s28, $0x1;
	[dreg:$0x2] =	wrdreg s2  }
0xa9: {  	[dreg:$0x3] =	wrdreg s4  }
0xaa: {  	[dreg:$0x4] =	wrdreg $0xC0  }
0xab: {  	_ =	task [dreg:s6], $0x5FFFF  }
0xac: {  	[dreg:$0x1] =	wrdreg $0xFFFFFFFF  }
0xad: {  	[dreg:$0x0] =	wrdreg $0x60  }
0xae: {  	[dreg:$0x2] =	wrdreg s24  }
0xaf: {  	[dreg:$0x3] =	wrdreg $0x9  }
0xb0: {  	_ =	task.clear_ibuf [dreg:s6], $0x4FFFF;
	_ =	strace $0x90000046  }
0xb1: {  	s29 =	simm.s32 $0x9;
	_ =	strace $0x80000048  }
0xb2: {  	_ =	swait.ge [sflag:s29], $0x1  }
0xb3: {  	[sflag:s29] =	ssyncadd.s32 $0xFFFFFFFF  }
0xb4: {  	_ =	strace $0x90000048  }
0xb5: {  	_ =	sfence  }
0xb6: {  	s30 =	sld [smem:$0x0];
	_ =	sdelay $0x2  }
0xb7: {  	s31 =	sshll.u32 s1, $0xD;
	s1 =	sshrl.u32 s1, $0x2  }
0xb8: {  	s3 =	sand.u32 $0x4000, s31;
	s1 =	sadd.s32 s1, s30  }
0xb9: {  	s0 =	sor.u32 s3, s0;
	s1 =	sshll.u32 s1, $0x11  }
0xba: {  	s0 =	sor.u32 s1, s0  }
0xbb: {  	s0 =	sadd.s32 $0x8F2B, s0  }
0xbc: {  	[sflag:s0] =	ssyncadd.remote.s32 $0x1  }
0xbd: {  	_ =	sfence.sel $0xFFFF  }
0xbe: {  	[dreg:$0x0] =	wrdreg $0xFFFFFFFF;
	(pc) =	sbr.abs _section_cstart, $3  }
0xbf: {  	[dreg:$0x1] =	wrdreg $0xFFFFFFFF  }
0xc0: {  	_ =	task.clear_ibuf [dreg:s6], $0x2FFFF;
	_ =	strace $0x9FFFFFFF  }
0xc1: {  	(tm) =	ssettm $0x7FFFFFFF  }
tec
execute0_lowered:
.L_overlay_start_1:
0x0: {  	(tag) =	ssettag $0x1  }
0x1: {  	s0 =	srdreg.scid  }
0x2: {  	s5 =	rddreg [dreg:$0x0];
	s1 =	stileid.u32;
	s2 =	simm.s32 $0x0  }
0x3: {  	s8 =	simm.s32 $0x1;
	s11 =	simm.s32 $0x4000;
	s12 =	simm.s32 $0x80000  }
0x4: {  	s13 =	simm.s32 $0xC000;
	s14 =	simm.s32 $0x14000;
	s15 =	simm.s32 $0x14080  }
0x5: {  	s16 =	simm.s32 $0x14100;
	s17 =	simm.s32 $0x14180;
	s18 =	simm.s32 $0x10000  }
0x6: {  	s19 =	simm.s32 $0x2;
	s7 =	sand.u32 $0x1, s0;
	s0 =	rddreg [dreg:$0x1]  }
0x7: {  	s20 =	simm.s32 $0x0;
	[smem:$0x7FF] =	sst s2;
	s3 =	sor.u32 s7, s1  }
0x8: {  	s4 =	sadd.s32 $0x400, s5;
	p1 =	seq.s32 s7, $0x1;
	p0 =	seq.s32 s3, $0x0  }
0x9: {  	_ =	strace $0x80000047;
	s6 =	ssub.s32 $0x2, s7;
	p0 =	por !p0, !p1  }
0xa: {  	s7 =	sshll.u32 s7, $0x12;
	s3 =	sadd.s32 $0x100400, s5;
	p0 =	por !p0, !p0  }
0xb: {  	s9 =	sshrl.u32 s6, $0x1;
	s5 =	sadd.s32 $0x400400, s5;
	s8 =	simm.s32 @!p0 $0x0  }
0xc: {  	v0 =	vlaneseq.u32;
	s10 =	ssub.s32 s6, s9;
	s6 =	simm.s32 $0x1;
	s31 =	ssub.s32 s1, s8  }
0xd: {  	v1 =	vimm.f32 $1.000000000e+00;
	v0 =	vor.u32 $0x70, v0;
	s10 =	smax.u32 s10, $0x1;
	s8 =	smul.u32 $0x180000, s31;
	s9 =	sshll.u32 s31, $0x13  }
.LBB2_1:
0xe: {  	s21 =	simm.s32 $0x0  }
.LBB2_2:
0xf: {  	s22 =	sshll.u32 s21, $0xE  }
0x10: {  	s22 =	sadd.s32 s7, s22  }
0x11: {  	s23 =	sadd.s32 s8, s22  }
0x12: {  	s22 =	sadd.s32 s9, s22;
	s23 =	sshrl.u32 s23, $0x3  }
0x13: {  	s22 =	sshrl.u32 s22, $0x3;
	s23 =	sadd.s32 s3, s23  }
0x14: {  	[tilespmem:s2], [sflag:$0x1] =	stream.strided.gather [hbm4b:s23+s11], $0xC000, s12, s11, $0x38;
	[tilespmem:$0x14200] =	vst v63  }
0x15: {  	s31 =	sadd.s32 s4, s22  }
0x16: {  	[tilespmem:s13], [sflag:$0x1] =	stream.linear.gather [hbm4b:s31+s2], $0x4000, $0x38;
	[tilespmem:$0x14200] =	vst v63  }
0x17: {  	_ =	swait.ge [sflag:s6], $0xC000  }
0x18: {  	[sflag:s6] =	ssyncset.done $0x0  }
0x19: {  	[sflag:s6] =	ssyncadd.s32 $0xFFFF4000  }
0x1a: {  	_ =	swait.ge [sflag:s6], $0x4000  }
0x1b: {  	p0 =	seq.s32 s21, $0x0;
	[sflag:s6] =	ssyncset.done $0x0  }
0x1c: {  	s23 =	simm.s32 @!p0 $0x2;
	[sflag:s6] =	ssyncadd.s32 $0xFFFFC000  }
0x1d: {  	_ =	swait.ge @!p0 [sflag:s23], $0x4000  }
0x1e: {  	[sflag:s23] =	ssyncset.done @!p0 $0x0  }
0x1f: {  	[sflag:s23] =	ssyncadd.s32 @!p0 $0xFFFFC000;
	s23 =	simm.s32 $0x0  }
.LBB2_3:
0x20: {  	v3 =	vimm.f32 $0.0e+00  }
0x21: {  	[tilespmem:$0x14000] =	vst v3  }
0x22: {  	[tilespmem:$0x14010] =	vst v3  }
0x23: {  	[tilespmem:$0x14020] =	vst v3  }
0x24: {  	[tilespmem:$0x14030] =	vst v3  }
0x25: {  	[tilespmem:$0x14040] =	vst v3  }
0x26: {  	[tilespmem:$0x14050] =	vst v3  }
0x27: {  	[tilespmem:$0x14060] =	vst v3  }
0x28: {  	[tilespmem:$0x14070] =	vst v3  }
0x29: {  	[tilespmem:$0x14080] =	vst v3  }
0x2a: {  	[tilespmem:$0x14090] =	vst v3  }
0x2b: {  	[tilespmem:$0x140A0] =	vst v3  }
0x2c: {  	[tilespmem:$0x140B0] =	vst v3  }
0x2d: {  	[tilespmem:$0x140C0] =	vst v3  }
0x2e: {  	[tilespmem:$0x140D0] =	vst v3  }
0x2f: {  	[tilespmem:$0x140E0] =	vst v3  }
0x30: {  	[tilespmem:$0x140F0] =	vst v3  }
0x31: {  	[tilespmem:$0x14100] =	vst v3  }
0x32: {  	[tilespmem:$0x14110] =	vst v3  }
0x33: {  	[tilespmem:$0x14120] =	vst v3  }
0x34: {  	[tilespmem:$0x14130] =	vst v3  }
0x35: {  	[tilespmem:$0x14140] =	vst v3  }
0x36: {  	[tilespmem:$0x14150] =	vst v3  }
0x37: {  	[tilespmem:$0x14160] =	vst v3  }
0x38: {  	[tilespmem:$0x14170] =	vst v3  }
0x39: {  	[tilespmem:$0x14180] =	vst v3  }
0x3a: {  	[tilespmem:$0x14190] =	vst v3  }
0x3b: {  	[tilespmem:$0x141A0] =	vst v3  }
0x3c: {  	s24 =	sshll.u32 s23, $0x4;
	v6 =	vlaneseq.u32;
	[tilespmem:$0x141B0] =	vst v3  }
0x3d: {  	v2 =	vmov s24;
	v4 =	vmul.u32 $0x80, v6;
	[tilespmem:$0x141C0] =	vst v3  }
0x3e: {  	[tilespmem:$0x141D0] =	vst v3;
	v2 =	vshll.u32 v2, $0x7  }
0x3f: {  	v5 =	vimm.f32 $0.0e+00;
	[tilespmem:$0x141E0] =	vst v3;
	v2 =	vor.u32 v4, v2  }
0x40: {  	[tilespmem:$0x141F0] =	vst v3;
	s24 =	simm.s32 $0x8;
	v4 =	vimm.f32 $0.0e+00;
	v7 =	vor.u32 $0x4000, v2;
	v8 =	vor.u32 $0x8000, v2  }
.LBB2_4:
0x41: {  	v9 =	vor.u32 v2, v6  }
0x42: {  	v11 =	vor.u32 v7, v6  }
0x43: {  	v12 =	vor.u32 v8, v6;
	_ =	sdelay $0x2  }
0x44: {  	v10 =	vld.idx.msk [tilespmem:v9+s2+$0x0], $0xffff  }
0x45: {  	v11 =	vld.idx.msk [tilespmem:v11+s2+$0x0], $0xffff  }
0x46: {  	v9 =	vld.idx.msk [tilespmem:v12+s2+$0x0], $0xffff;
	_ =	sdelay $0x3  }
0x47: {  	v51 =	vshrl.u32 v10, $0x19;
	v13 =	vshrl.u32 v11, $0x1A  }
0x48: {  	v14 =	vshrl.u32 v9, $0x1B;
	v12 =	vand.u32 $0x40, v51;
	v13 =	vand.u32 $0x20, v13  }
0x49: {  	v14 =	vand.u32 $0x10, v14;
	v12 =	vor.u32 v12, v13  }
0x4a: {  	v12 =	vor.u32 v14, v12  }
0x4b: {  	v12 =	vsub.s32 v0, v12;
	_ =	sdelay $0x1  }
0x4c: {  	v52 =	vadd.s32 $0x1, v6  }
0x4d: {  	v13 =	vand.u32 $0x3F, v52  }
0x4e: {  	v53 =	vor.u32 v2, v13  }
0x4f: {  	v15 =	vor.u32 v7, v13;
	[tilespmem:v12+s14+$0x0] =	vst.idx.add.f32.msk $0xffff, v10  }
0x50: {  	v16 =	vor.u32 v8, v13;
	[tilespmem:v12+s15+$0x0] =	vst.idx.add.f32.msk $0xffff, v11  }
0x51: {  	[tilespmem:v12+s16+$0x0] =	vst.idx.add.f32.msk $0xffff, v9  }
0x52: {  	[tilespmem:v12+s17+$0x0] =	vst.idx.add.f32.msk $0xffff, v1  }
0x53: {  	v14 =	vld.idx.msk [tilespmem:v53+s2+$0x0], $0xffff  }
0x54: {  	v54 =	vld.idx.msk [tilespmem:v15+s2+$0x0], $0xffff  }
0x55: {  	v12 =	vld.idx.msk [tilespmem:v16+s2+$0x0], $0xffff;
	_ =	sdelay $0x3  }
0x56: {  	v55 =	vshrl.u32 v14, $0x19;
	v56 =	vshrl.u32 v54, $0x1A  }
0x57: {  	v17 =	vshrl.u32 v12, $0x1B;
	v15 =	vand.u32 $0x40, v55;
	v16 =	vand.u32 $0x20, v56  }
0x58: {  	v17 =	vand.u32 $0x10, v17;
	v15 =	vor.u32 v15, v16  }
0x59: {  	v15 =	vor.u32 v17, v15  }
0x5a: {  	v15 =	vsub.s32 v0, v15;
	_ =	sdelay $0x1  }
0x5b: {  	v57 =	vadd.s32 $0x2, v6  }
0x5c: {  	v16 =	vand.u32 $0x3F, v57  }
0x5d: {  	v58 =	vor.u32 v2, v16  }
0x5e: {  	v18 =	vor.u32 v7, v16;
	[tilespmem:v15+s14+$0x0] =	vst.idx.add.f32.msk $0xffff, v14  }
0x5f: {  	v16 =	vor.u32 v8, v16;
	[tilespmem:v15+s15+$0x0] =	vst.idx.add.f32.msk $0xffff, v54  }
0x60: {  	[tilespmem:v15+s16+$0x0] =	vst.idx.add.f32.msk $0xffff, v12  }
0x61: {  	[tilespmem:v15+s17+$0x0] =	vst.idx.add.f32.msk $0xffff, v1  }
0x62: {  	v15 =	vld.idx.msk [tilespmem:v58+s2+$0x0], $0xffff  }
0x63: {  	v59 =	vld.idx.msk [tilespmem:v18+s2+$0x0], $0xffff  }
0x64: {  	v16 =	vld.idx.msk [tilespmem:v16+s2+$0x0], $0xffff;
	_ =	sdelay $0x3  }
0x65: {  	v60 =	vshrl.u32 v15, $0x19;
	v19 =	vshrl.u32 v59, $0x1A  }
0x66: {  	v20 =	vshrl.u32 v16, $0x1B;
	v18 =	vand.u32 $0x40, v60;
	v19 =	vand.u32 $0x20, v19  }
0x67: {  	v20 =	vand.u32 $0x10, v20;
	v18 =	vor.u32 v18, v19  }
0x68: {  	v18 =	vor.u32 v20, v18  }
0x69: {  	v18 =	vsub.s32 v0, v18;
	_ =	sdelay $0x1  }
0x6a: {  	v61 =	vadd.s32 $0x3, v6  }
0x6b: {  	v19 =	vand.u32 $0x3F, v61  }
0x6c: {  	v62 =	vor.u32 v2, v19  }
0x6d: {  	v21 =	vor.u32 v7, v19;
	[tilespmem:v18+s14+$0x0] =	vst.idx.add.f32.msk $0xffff, v15  }
0x6e: {  	v19 =	vor.u32 v8, v19;
	[tilespmem:v18+s15+$0x0] =	vst.idx.add.f32.msk $0xffff, v59  }
0x6f: {  	[tilespmem:v18+s16+$0x0] =	vst.idx.add.f32.msk $0xffff, v16  }
0x70: {  	[tilespmem:v18+s17+$0x0] =	vst.idx.add.f32.msk $0xffff, v1  }
0x71: {  	v18 =	vld.idx.msk [tilespmem:v62+s2+$0x0], $0xffff  }
0x72: {  	v63 =	vld.idx.msk [tilespmem:v21+s2+$0x0], $0xffff  }
0x73: {  	v19 =	vld.idx.msk [tilespmem:v19+s2+$0x0], $0xffff;
	_ =	sdelay $0x3  }
0x74: {  	v33 =	vshrl.u32 v18, $0x19;
	v22 =	vshrl.u32 v63, $0x1A  }
0x75: {  	v23 =	vshrl.u32 v19, $0x1B;
	v21 =	vand.u32 $0x40, v33;
	v22 =	vand.u32 $0x20, v22  }
0x76: {  	v23 =	vand.u32 $0x10, v23;
	v21 =	vor.u32 v21, v22  }
0x77: {  	v21 =	vor.u32 v23, v21  }
0x78: {  	v21 =	vsub.s32 v0, v21;
	_ =	sdelay $0x1  }
0x79: {  	v34 =	vadd.s32 $0x4, v6  }
0x7a: {  	v22 =	vand.u32 $0x3F, v34  }
0x7b: {  	v35 =	vor.u32 v2, v22  }
0x7c: {  	v24 =	vor.u32 v7, v22;
	[tilespmem:v21+s14+$0x0] =	vst.idx.add.f32.msk $0xffff, v18  }
0x7d: {  	v22 =	vor.u32 v8, v22;
	[tilespmem:v21+s15+$0x0] =	vst.idx.add.f32.msk $0xffff, v63  }
0x7e: {  	[tilespmem:v21+s16+$0x0] =	vst.idx.add.f32.msk $0xffff, v19  }
0x7f: {  	[tilespmem:v21+s17+$0x0] =	vst.idx.add.f32.msk $0xffff, v1  }
0x80: {  	v21 =	vld.idx.msk [tilespmem:v35+s2+$0x0], $0xffff  }
0x81: {  	v36 =	vld.idx.msk [tilespmem:v24+s2+$0x0], $0xffff  }
0x82: {  	v22 =	vld.idx.msk [tilespmem:v22+s2+$0x0], $0xffff;
	_ =	sdelay $0x3  }
0x83: {  	v37 =	vshrl.u32 v21, $0x19;
	v25 =	vshrl.u32 v36, $0x1A  }
0x84: {  	v26 =	vshrl.u32 v22, $0x1B;
	v24 =	vand.u32 $0x40, v37;
	v25 =	vand.u32 $0x20, v25  }
0x85: {  	v26 =	vand.u32 $0x10, v26;
	v24 =	vor.u32 v24, v25  }
0x86: {  	v24 =	vor.u32 v26, v24  }
0x87: {  	v24 =	vsub.s32 v0, v24;
	_ =	sdelay $0x1  }
0x88: {  	v38 =	vadd.s32 $0x5, v6  }
0x89: {  	v25 =	vand.u32 $0x3F, v38  }
0x8a: {  	v39 =	vor.u32 v2, v25  }
0x8b: {  	v27 =	vor.u32 v7, v25;
	[tilespmem:v24+s14+$0x0] =	vst.idx.add.f32.msk $0xffff, v21  }
0x8c: {  	v25 =	vor.u32 v8, v25;
	[tilespmem:v24+s15+$0x0] =	vst.idx.add.f32.msk $0xffff, v36  }
0x8d: {  	[tilespmem:v24+s16+$0x0] =	vst.idx.add.f32.msk $0xffff, v22  }
0x8e: {  	[tilespmem:v24+s17+$0x0] =	vst.idx.add.f32.msk $0xffff, v1  }
0x8f: {  	v24 =	vld.idx.msk [tilespmem:v39+s2+$0x0], $0xffff  }
0x90: {  	v40 =	vld.idx.msk [tilespmem:v27+s2+$0x0], $0xffff  }
0x91: {  	v25 =	vld.idx.msk [tilespmem:v25+s2+$0x0], $0xffff;
	_ =	sdelay $0x3  }
0x92: {  	v41 =	vshrl.u32 v24, $0x19;
	v28 =	vshrl.u32 v40, $0x1A  }
0x93: {  	v29 =	vshrl.u32 v25, $0x1B;
	v27 =	vand.u32 $0x40, v41;
	v28 =	vand.u32 $0x20, v28  }
0x94: {  	v29 =	vand.u32 $0x10, v29;
	v27 =	vor.u32 v27, v28  }
0x95: {  	v27 =	vor.u32 v29, v27  }
0x96: {  	v27 =	vsub.s32 v0, v27;
	_ =	sdelay $0x1  }
0x97: {  	v42 =	vadd.s32 $0x6, v6  }
0x98: {  	v28 =	vand.u32 $0x3F, v42  }
0x99: {  	v43 =	vor.u32 v2, v28  }
0x9a: {  	v30 =	vor.u32 v7, v28;
	[tilespmem:v27+s14+$0x0] =	vst.idx.add.f32.msk $0xffff, v24  }
0x9b: {  	v28 =	vor.u32 v8, v28;
	[tilespmem:v27+s15+$0x0] =	vst.idx.add.f32.msk $0xffff, v40  }
0x9c: {  	[tilespmem:v27+s16+$0x0] =	vst.idx.add.f32.msk $0xffff, v25  }
0x9d: {  	[tilespmem:v27+s17+$0x0] =	vst.idx.add.f32.msk $0xffff, v1  }
0x9e: {  	v27 =	vld.idx.msk [tilespmem:v43+s2+$0x0], $0xffff  }
0x9f: {  	v44 =	vld.idx.msk [tilespmem:v30+s2+$0x0], $0xffff  }
0xa0: {  	v28 =	vld.idx.msk [tilespmem:v28+s2+$0x0], $0xffff;
	_ =	sdelay $0x3  }
0xa1: {  	v45 =	vshrl.u32 v27, $0x19;
	v31 =	vshrl.u32 v44, $0x1A  }
0xa2: {  	v32 =	vshrl.u32 v28, $0x1B;
	v30 =	vand.u32 $0x40, v45;
	v31 =	vand.u32 $0x20, v31  }
0xa3: {  	v46 =	vand.u32 $0x10, v32;
	v30 =	vor.u32 v30, v31  }
0xa4: {  	v30 =	vor.u32 v46, v30  }
0xa5: {  	v30 =	vsub.s32 v0, v30;
	_ =	sdelay $0x1  }
0xa6: {  	v47 =	vadd.s32 $0x7, v6;
	v10 =	vmul.f32 v10, v10;
	v11 =	vmul.f32 v11, v11  }
0xa7: {  	v9 =	vmul.f32 v9, v9;
	v31 =	vand.u32 $0x3F, v47  }
0xa8: {  	v5 =	vadd.f32 v10, v5;
	v4 =	vadd.f32 v11, v4;
	v10 =	vor.u32 v2, v31  }
0xa9: {  	v3 =	vadd.f32 v9, v3;
	v11 =	vor.u32 v7, v31;
	[tilespmem:v30+s14+$0x0] =	vst.idx.add.f32.msk $0xffff, v27  }
0xaa: {  	v9 =	vmul.f32 v54, v54;
	v31 =	vor.u32 v8, v31;
	[tilespmem:v30+s15+$0x0] =	vst.idx.add.f32.msk $0xffff, v44  }
0xab: {  	v14 =	vmul.f32 v14, v14;
	[tilespmem:v30+s16+$0x0] =	vst.idx.add.f32.msk $0xffff, v28  }
0xac: {  	v4 =	vadd.f32 v9, v4;
	v12 =	vmul.f32 v12, v12;
	[tilespmem:v30+s17+$0x0] =	vst.idx.add.f32.msk $0xffff, v1  }
0xad: {  	v5 =	vadd.f32 v14, v5;
	v9 =	vmul.f32 v15, v15;
	v48 =	vmul.f32 v59, v59;
	v10 =	vld.idx.msk [tilespmem:v10+s2+$0x0], $0xffff  }
0xae: {  	v3 =	vadd.f32 v12, v3;
	v49 =	vmul.f32 v16, v16;
	v11 =	vld.idx.msk [tilespmem:v11+s2+$0x0], $0xffff  }
0xaf: {  	v5 =	vadd.f32 v9, v5;
	v4 =	vadd.f32 v48, v4;
	v9 =	vmul.f32 v18, v18;
	v50 =	vld.idx.msk [tilespmem:v31+s2+$0x0], $0xffff  }
0xb0: {  	v3 =	vadd.f32 v49, v3;
	v51 =	vmul.f32 v63, v63;
	v52 =	vmul.f32 v19, v19  }
0xb1: {  	v5 =	vadd.f32 v9, v5;
	v9 =	vmul.f32 v21, v21  }
0xb2: {  	v4 =	vadd.f32 v51, v4;
	v3 =	vadd.f32 v52, v3  }
0xb3: {  	v5 =	vadd.f32 v9, v5;
	v9 =	vshrl.u32 v10, $0x19;
	v53 =	vshrl.u32 v11, $0x1A  }
0xb4: {  	v54 =	vshrl.u32 v50, $0x1B;
	v9 =	vand.u32 $0x40, v9;
	v12 =	vand.u32 $0x20, v53  }
0xb5: {  	v55 =	vmul.f32 v36, v36;
	v14 =	vand.u32 $0x10, v54;
	v9 =	vor.u32 v9, v12  }
0xb6: {  	v56 =	vmul.f32 v22, v22;
	v57 =	vmul.f32 v24, v24;
	v9 =	vor.u32 v14, v9  }
0xb7: {  	v4 =	vadd.f32 v55, v4;
	v58 =	vmul.f32 v40, v40;
	v9 =	vsub.s32 v0, v9  }
0xb8: {  	v3 =	vadd.f32 v56, v3;
	v59 =	vmul.f32 v25, v25;
	v5 =	vadd.f32 v57, v5  }
0xb9: {  	v4 =	vadd.f32 v58, v4;
	v60 =	vmul.f32 v27, v27;
	v61 =	vmul.f32 v44, v44  }
0xba: {  	p0 =	sne.s32 s24, $0x1;
	v3 =	vadd.f32 v59, v3;
	v62 =	vmul.f32 v28, v28  }
.Ltmp0:
0xbb: {  	v5 =	vadd.f32 v60, v5;
	v4 =	vadd.f32 v61, v4;
	(pc) =	sbr.rel @p0 .LBB2_4-.Ltmp0, $4  }
0xbc: {  	v3 =	vadd.f32 v62, v3;
	v63 =	vmul.f32 v50, v50;
	[tilespmem:v9+s14+$0x0] =	vst.idx.add.f32.msk $0xffff, v10  }
0xbd: {  	v10 =	vmul.f32 v10, v10;
	[tilespmem:v9+s15+$0x0] =	vst.idx.add.f32.msk $0xffff, v11;
	v11 =	vmul.f32 v11, v11  }
0xbe: {  	v6 =	vadd.s32 $0x8, v6;
	v3 =	vadd.f32 v63, v3;
	[tilespmem:v9+s16+$0x0] =	vst.idx.add.f32.msk $0xffff, v50  }
0xbf: {  	s24 =	sadd.s32 $0xFFFFFFFF, s24;
	v6 =	vand.u32 $0x3F, v6;
	v5 =	vadd.f32 v10, v5;
	[tilespmem:v9+s17+$0x0] =	vst.idx.add.f32.msk $0xffff, v1;
	v4 =	vadd.f32 v11, v4  }
0xc0: {  	v6 =	vld [tilespmem:$0x14180];
	_ =	sdelay $0x4  }
0xc1: {  	v6 =	vmax.f32 v6, $1.000000000e+00  }
0xc2: {  	(erf) = vrcp.f32 v6;
	_ =	sdelay $0x4  }
0xc3: {  	v40 =	vld [tilespmem:$0x14000];
	_ =	sdelay $0x1  }
0xc4: {  	v7 =	vor.u32 $0x6, v2;
	_ =	sdelay $0x1  }
0xc5: {  	v8 =	vpop (erf)  }
0xc6: {  	v9 =	vmul.f32 v8, v40;
	_ =	sdelay $0x1  }
0xc7: {  	[tilespmem:v7+s18+$0x0] =	vst.idx.msk $0xffff, v9  }
0xc8: {  	v7 =	vld [tilespmem:$0x14080];
	_ =	sdelay $0x1  }
0xc9: {  	v41 =	vor.u32 $0x7, v2;
	_ =	sdelay $0x2  }
0xca: {  	v10 =	vmul.f32 v7, v8;
	_ =	sdelay $0x1  }
0xcb: {  	[tilespmem:v41+s18+$0x0] =	vst.idx.msk $0xffff, v10  }
0xcc: {  	v9 =	vld [tilespmem:$0x14100];
	_ =	sdelay $0x1  }
0xcd: {  	v42 =	vor.u32 $0x8, v2;
	_ =	sdelay $0x2  }
0xce: {  	v8 =	vmul.f32 v9, v8;
	_ =	sdelay $0x1  }
0xcf: {  	[tilespmem:v42+s18+$0x0] =	vst.idx.msk $0xffff, v8  }
0xd0: {  	v8 =	vld [tilespmem:$0x14190];
	_ =	sdelay $0x4  }
0xd1: {  	v8 =	vmax.f32 v8, $1.000000000e+00  }
0xd2: {  	(erf) = vrcp.f32 v8;
	_ =	sdelay $0x4  }
0xd3: {  	v43 =	vld [tilespmem:$0x14010];
	_ =	sdelay $0x1  }
0xd4: {  	v44 =	vor.u32 $0x9, v2;
	_ =	sdelay $0x1  }
0xd5: {  	v11 =	vpop (erf)  }
0xd6: {  	v12 =	vmul.f32 v11, v43;
	_ =	sdelay $0x1  }
0xd7: {  	[tilespmem:v44+s18+$0x0] =	vst.idx.msk $0xffff, v12  }
0xd8: {  	v10 =	vld [tilespmem:$0x14090];
	_ =	sdelay $0x1  }
0xd9: {  	v45 =	vor.u32 $0xA, v2;
	_ =	sdelay $0x2  }
0xda: {  	v13 =	vmul.f32 v10, v11;
	_ =	sdelay $0x1  }
0xdb: {  	[tilespmem:v45+s18+$0x0] =	vst.idx.msk $0xffff, v13  }
0xdc: {  	v12 =	vld [tilespmem:$0x14110];
	_ =	sdelay $0x1  }
0xdd: {  	v46 =	vor.u32 $0xB, v2;
	_ =	sdelay $0x2  }
0xde: {  	v11 =	vmul.f32 v12, v11;
	_ =	sdelay $0x1  }
0xdf: {  	[tilespmem:v46+s18+$0x0] =	vst.idx.msk $0xffff, v11  }
0xe0: {  	v11 =	vld [tilespmem:$0x141A0];
	_ =	sdelay $0x4  }
0xe1: {  	v11 =	vmax.f32 v11, $1.000000000e+00  }
0xe2: {  	(erf) = vrcp.f32 v11;
	_ =	sdelay $0x4  }
0xe3: {  	v47 =	vld [tilespmem:$0x14020];
	_ =	sdelay $0x1  }
0xe4: {  	v48 =	vor.u32 $0xC, v2;
	_ =	sdelay $0x1  }
0xe5: {  	v14 =	vpop (erf)  }
0xe6: {  	v15 =	vmul.f32 v14, v47;
	_ =	sdelay $0x1  }
0xe7: {  	[tilespmem:v48+s18+$0x0] =	vst.idx.msk $0xffff, v15  }
0xe8: {  	v13 =	vld [tilespmem:$0x140A0];
	_ =	sdelay $0x1  }
0xe9: {  	v49 =	vor.u32 $0xD, v2;
	_ =	sdelay $0x2  }
0xea: {  	v16 =	vmul.f32 v13, v14;
	_ =	sdelay $0x1  }
0xeb: {  	[tilespmem:v49+s18+$0x0] =	vst.idx.msk $0xffff, v16  }
0xec: {  	v15 =	vld [tilespmem:$0x14120];
	_ =	sdelay $0x1  }
0xed: {  	v50 =	vor.u32 $0xE, v2;
	_ =	sdelay $0x2  }
0xee: {  	v14 =	vmul.f32 v15, v14;
	_ =	sdelay $0x1  }
0xef: {  	[tilespmem:v50+s18+$0x0] =	vst.idx.msk $0xffff, v14  }
0xf0: {  	v14 =	vld [tilespmem:$0x141B0];
	_ =	sdelay $0x4  }
0xf1: {  	v14 =	vmax.f32 v14, $1.000000000e+00  }
0xf2: {  	(erf) = vrcp.f32 v14;
	_ =	sdelay $0x4  }
0xf3: {  	v51 =	vld [tilespmem:$0x14030];
	_ =	sdelay $0x1  }
0xf4: {  	v52 =	vor.u32 $0xF, v2;
	_ =	sdelay $0x1  }
0xf5: {  	v17 =	vpop (erf)  }
0xf6: {  	v18 =	vmul.f32 v17, v51;
	_ =	sdelay $0x1  }
0xf7: {  	[tilespmem:v52+s18+$0x0] =	vst.idx.msk $0xffff, v18  }
0xf8: {  	v16 =	vld [tilespmem:$0x140B0];
	_ =	sdelay $0x1  }
0xf9: {  	v53 =	vor.u32 $0x10, v2;
	_ =	sdelay $0x2  }
0xfa: {  	v19 =	vmul.f32 v16, v17;
	_ =	sdelay $0x1  }
0xfb: {  	[tilespmem:v53+s18+$0x0] =	vst.idx.msk $0xffff, v19  }
0xfc: {  	v18 =	vld [tilespmem:$0x14130];
	_ =	sdelay $0x1  }
0xfd: {  	v54 =	vor.u32 $0x11, v2;
	_ =	sdelay $0x2  }
0xfe: {  	v17 =	vmul.f32 v18, v17;
	_ =	sdelay $0x1  }
0xff: {  	[tilespmem:v54+s18+$0x0] =	vst.idx.msk $0xffff, v17  }
0x100: {  	v17 =	vld [tilespmem:$0x141C0];
	_ =	sdelay $0x4  }
0x101: {  	v17 =	vmax.f32 v17, $1.000000000e+00  }
0x102: {  	(erf) = vrcp.f32 v17;
	_ =	sdelay $0x4  }
0x103: {  	v55 =	vld [tilespmem:$0x14040];
	_ =	sdelay $0x1  }
0x104: {  	v56 =	vor.u32 $0x12, v2;
	_ =	sdelay $0x1  }
0x105: {  	v20 =	vpop (erf)  }
0x106: {  	v21 =	vmul.f32 v20, v55;
	_ =	sdelay $0x1  }
0x107: {  	[tilespmem:v56+s18+$0x0] =	vst.idx.msk $0xffff, v21  }
0x108: {  	v19 =	vld [tilespmem:$0x140C0];
	_ =	sdelay $0x1  }
0x109: {  	v57 =	vor.u32 $0x13, v2;
	_ =	sdelay $0x2  }
0x10a: {  	v22 =	vmul.f32 v19, v20;
	_ =	sdelay $0x1  }
0x10b: {  	[tilespmem:v57+s18+$0x0] =	vst.idx.msk $0xffff, v22  }
0x10c: {  	v21 =	vld [tilespmem:$0x14140];
	_ =	sdelay $0x1  }
0x10d: {  	v58 =	vor.u32 $0x14, v2;
	_ =	sdelay $0x2  }
0x10e: {  	v20 =	vmul.f32 v21, v20;
	_ =	sdelay $0x1  }
0x10f: {  	[tilespmem:v58+s18+$0x0] =	vst.idx.msk $0xffff, v20  }
0x110: {  	v20 =	vld [tilespmem:$0x141D0];
	_ =	sdelay $0x4  }
0x111: {  	v20 =	vmax.f32 v20, $1.000000000e+00  }
0x112: {  	(erf) = vrcp.f32 v20;
	_ =	sdelay $0x4  }
0x113: {  	v59 =	vld [tilespmem:$0x14050];
	_ =	sdelay $0x1  }
0x114: {  	v60 =	vor.u32 $0x15, v2;
	_ =	sdelay $0x1  }
0x115: {  	v23 =	vpop (erf)  }
0x116: {  	v24 =	vmul.f32 v23, v59;
	_ =	sdelay $0x1  }
0x117: {  	[tilespmem:v60+s18+$0x0] =	vst.idx.msk $0xffff, v24  }
0x118: {  	v22 =	vld [tilespmem:$0x140D0];
	_ =	sdelay $0x1  }
0x119: {  	v61 =	vor.u32 $0x16, v2;
	_ =	sdelay $0x2  }
0x11a: {  	v25 =	vmul.f32 v22, v23;
	_ =	sdelay $0x1  }
0x11b: {  	[tilespmem:v61+s18+$0x0] =	vst.idx.msk $0xffff, v25  }
0x11c: {  	v24 =	vld [tilespmem:$0x14150];
	_ =	sdelay $0x1  }
0x11d: {  	v62 =	vor.u32 $0x17, v2;
	_ =	sdelay $0x2  }
0x11e: {  	v23 =	vmul.f32 v24, v23;
	_ =	sdelay $0x1  }
0x11f: {  	[tilespmem:v62+s18+$0x0] =	vst.idx.msk $0xffff, v23  }
0x120: {  	v23 =	vld [tilespmem:$0x141E0];
	_ =	sdelay $0x4  }
0x121: {  	v23 =	vmax.f32 v23, $1.000000000e+00  }
0x122: {  	(erf) = vrcp.f32 v23;
	_ =	sdelay $0x4  }
0x123: {  	v63 =	vld [tilespmem:$0x14060];
	_ =	sdelay $0x1  }
0x124: {  	v32 =	vor.u32 $0x18, v2;
	_ =	sdelay $0x1  }
0x125: {  	v26 =	vpop (erf)  }
0x126: {  	v27 =	vmul.f32 v26, v63;
	_ =	sdelay $0x1  }
0x127: {  	[tilespmem:v32+s18+$0x0] =	vst.idx.msk $0xffff, v27  }
0x128: {  	v25 =	vld [tilespmem:$0x140E0];
	_ =	sdelay $0x1  }
0x129: {  	v33 =	vor.u32 $0x19, v2;
	_ =	sdelay $0x2  }
0x12a: {  	v28 =	vmul.f32 v25, v26;
	_ =	sdelay $0x1  }
0x12b: {  	[tilespmem:v33+s18+$0x0] =	vst.idx.msk $0xffff, v28  }
0x12c: {  	v27 =	vld [tilespmem:$0x14160];
	_ =	sdelay $0x1  }
0x12d: {  	v34 =	vor.u32 $0x1A, v2;
	_ =	sdelay $0x2  }
0x12e: {  	v26 =	vmul.f32 v27, v26;
	_ =	sdelay $0x1  }
0x12f: {  	[tilespmem:v34+s18+$0x0] =	vst.idx.msk $0xffff, v26  }
0x130: {  	v26 =	vld [tilespmem:$0x141F0];
	_ =	sdelay $0x4  }
0x131: {  	v26 =	vmax.f32 v26, $1.000000000e+00  }
0x132: {  	(erf) = vrcp.f32 v26;
	_ =	sdelay $0x4  }
0x133: {  	v35 =	vld [tilespmem:$0x14070];
	_ =	sdelay $0x1  }
0x134: {  	v36 =	vor.u32 $0x1B, v2;
	_ =	sdelay $0x1  }
0x135: {  	v6 =	vadd.f32 $0.0e+00, v40;
	v29 =	vpop (erf)  }
0x136: {  	v7 =	vadd.f32 $0.0e+00, v7;
	v37 =	vmul.f32 v29, v35  }
0x137: {  	v6 =	vadd.f32 v43, v6  }
0x138: {  	v38 =	vadd.f32 $0.0e+00, v9;
	v7 =	vadd.f32 v10, v7;
	[tilespmem:v36+s18+$0x0] =	vst.idx.msk $0xffff, v37  }
0x139: {  	v6 =	vadd.f32 v47, v6;
	v39 =	vld [tilespmem:$0x140F0]  }
0x13a: {  	v8 =	vadd.f32 v12, v38;
	v7 =	vadd.f32 v13, v7  }
0x13b: {  	v40 =	vor.u32 $0x1C, v2;
	v6 =	vadd.f32 v51, v6  }
0x13c: {  	v8 =	vadd.f32 v15, v8;
	v7 =	vadd.f32 v16, v7  }
0x13d: {  	v6 =	vadd.f32 v55, v6  }
0x13e: {  	v8 =	vadd.f32 v18, v8;
	v7 =	vadd.f32 v19, v7;
	v41 =	vmul.f32 v39, v29  }
0x13f: {  	v6 =	vadd.f32 v59, v6  }
0x140: {  	v8 =	vadd.f32 v21, v8;
	v7 =	vadd.f32 v22, v7;
	[tilespmem:v40+s18+$0x0] =	vst.idx.msk $0xffff, v41  }
0x141: {  	v6 =	vadd.f32 v63, v6;
	v10 =	vld [tilespmem:$0x14170]  }
0x142: {  	v8 =	vadd.f32 v24, v8;
	v7 =	vadd.f32 v25, v7  }
0x143: {  	v6 =	vadd.f32 v35, v6  }
0x144: {  	v8 =	vadd.f32 v27, v8;
	v7 =	vadd.f32 v39, v7  }
0x145: {  	v42 =	vmul.f32 $1.562500000e-02, v6  }
0x146: {  	v9 =	vmul.f32 $1.562500000e-02, v7;
	v8 =	vadd.f32 v10, v8  }
0x147: {  	v6 =	vmul.f32 v42, v6  }
0x148: {  	v7 =	vmul.f32 v9, v7;
	v43 =	vmul.f32 $1.562500000e-02, v8  }
0x149: {  	v5 =	vsub.f32 v5, v6  }
0x14a: {  	v4 =	vsub.f32 v4, v7;
	v6 =	vmul.f32 v43, v8  }
0x14b: {  	v5 =	vmul.f32 $1.587301680e-02, v5  }
0x14c: {  	v4 =	vmul.f32 $1.587301680e-02, v4;
	v3 =	vsub.f32 v3, v6  }
0x14d: {  	v44 =	vmax.f32 v5, $1.000000000e-30  }
0x14e: {  	v45 =	vshra.s32 v44, $0x1;
	v47 =	vmax.f32 v4, $1.000000000e-30;
	v3 =	vmul.f32 $1.587301680e-02, v3  }
0x14f: {  	v7 =	vmul.f32 $5.000000000e-01, v44;
	v48 =	vshra.s32 v47, $0x1;
	v9 =	vmul.f32 $5.000000000e-01, v47  }
0x150: {  	v11 =	vsub.s32 $0x5F3759DF, v48;
	v6 =	vsub.s32 $0x5F3759DF, v45;
	v49 =	vmax.f32 v3, $1.000000000e-30  }
0x151: {  	v46 =	vmul.f32 v6, v7;
	v50 =	vshra.s32 v49, $0x1;
	v12 =	vmul.f32 $5.000000000e-01, v49  }
0x152: {  	v51 =	vmul.f32 v11, v9;
	v13 =	vsub.s32 $0x5F3759DF, v50  }
0x153: {  	v8 =	vmul.f32 v6, v46;
	v52 =	vmul.f32 v13, v12  }
0x154: {  	v14 =	vmul.f32 v11, v51  }
0x155: {  	v8 =	vsub.f32 $1.500000000e+00, v8;
	v15 =	vmul.f32 v13, v52  }
0x156: {  	v14 =	vsub.f32 $1.500000000e+00, v14  }
0x157: {  	v6 =	vmul.f32 v6, v8;
	v53 =	vsub.f32 $1.500000000e+00, v15  }
0x158: {  	v11 =	vmul.f32 v11, v14  }
0x159: {  	v54 =	vmul.f32 v6, v7;
	v8 =	vmul.f32 v13, v53  }
0x15a: {  	v55 =	vmul.f32 v11, v9  }
0x15b: {  	v14 =	vmul.f32 v54, v6;
	v56 =	vmul.f32 v8, v12  }
0x15c: {  	v13 =	vmul.f32 v55, v11  }
0x15d: {  	v14 =	vsub.f32 $1.500000000e+00, v14;
	v15 =	vmul.f32 v56, v8  }
0x15e: {  	v13 =	vsub.f32 $1.500000000e+00, v13  }
0x15f: {  	v6 =	vmul.f32 v14, v6;
	v57 =	vsub.f32 $1.500000000e+00, v15  }
0x160: {  	v11 =	vmul.f32 v13, v11  }
0x161: {  	v7 =	vmul.f32 v6, v7;
	v8 =	vmul.f32 v57, v8  }
0x162: {  	v9 =	vmul.f32 v11, v9  }
0x163: {  	v7 =	vmul.f32 v7, v6;
	v12 =	vmul.f32 v8, v12  }
0x164: {  	v9 =	vmul.f32 v9, v11  }
0x165: {  	v58 =	vor.u32 $0x1D, v2;
	v7 =	vsub.f32 $1.500000000e+00, v7;
	v12 =	vmul.f32 v12, v8  }
0x166: {  	v59 =	vor.u32 $0x1, v2;
	v9 =	vsub.f32 $1.500000000e+00, v9  }
0x167: {  	v60 =	vor.u32 $0x2, v2;
	v6 =	vmul.f32 v7, v6;
	v12 =	vsub.f32 $1.500000000e+00, v12  }
0x168: {  	v5 =	vmax.f32 v5, $0.0e+00;
	v10 =	vmul.f32 v10, v29;
	v9 =	vmul.f32 v9, v11  }
0x169: {  	v4 =	vmax.f32 v4, $0.0e+00;
	v5 =	vmul.f32 v6, v5;
	v61 =	vmul.f32 v12, v8  }
0x16a: {  	[tilespmem:v58+s18+$0x0] =	vst.idx.msk $0xffff, v10;
	v3 =	vmax.f32 v3, $0.0e+00;
	v4 =	vmul.f32 v9, v4  }
0x16b: {  	[tilespmem:v2+s18+$0x0] =	vst.idx.msk $0xffff, v5;
	v3 =	vmul.f32 v61, v3  }
0x16c: {  	[tilespmem:v59+s18+$0x0] =	vst.idx.msk $0xffff, v4  }
0x16d: {  	[tilespmem:v60+s18+$0x0] =	vst.idx.msk $0xffff, v3  }
0x16e: {  	v62 =	vor.u32 $0x3, v2;
	v3 =	vld.idx.msk [tilespmem:v2+s13+$0x0], $0xffff;
	_ =	sdelay $0x4  }
0x16f: {  	[tilespmem:v62+s18+$0x0] =	vst.idx.msk $0xffff, v3  }
0x170: {  	v63 =	vor.u32 $0x4, v2;
	v3 =	vld.idx.msk [tilespmem:v59+s13+$0x0], $0xffff;
	_ =	sdelay $0x4  }
0x171: {  	s23 =	sadd.s32 $0x1, s23;
	[tilespmem:v63+s18+$0x0] =	vst.idx.msk $0xffff, v3  }
0x172: {  	p0 =	sne.s32 s23, $0x8;
	v2 =	vor.u32 $0x5, v2;
	v3 =	vld.idx.msk [tilespmem:v60+s13+$0x0], $0xffff  }
.Ltmp1:
0x173: {  	_ = 	snop;
	(pc) =	sbr.rel @p0 .LBB2_3-.Ltmp1, $2  }
0x174: {  	_ =	sdelay $0x2  }
0x175: {  	[tilespmem:v2+s18+$0x0] =	vst.idx.msk $0xffff, v3  }
0x176: {  	s21 =	sadd.s32 $0x1, s21  }
0x177: {  	p0 =	sne.s32 s21, $0x10  }
.Ltmp2:
0x178: {  	_ = 	snop;
	(pc) =	sbr.rel @p0 .LBB2_2-.Ltmp2, $3  }
0x179: {  	_ =	sdelay $0x1  }
0x17a: {  	s22 =	sadd.s32 s5, s22  }
0x17b: {  	[hbm4b:s22+s2] =	stream.linear.scatter [tilespmem:s18], [sflag:$0x2], $0x4000, $0x38;
	[tilespmem:$0x14200] =	vst v63  }
0x17c: {  	s20 =	sadd.s32 $0x1, s20  }
0x17d: {  	p0 =	sne.s32 s20, s10  }
.Ltmp3:
0x17e: {  	_ = 	snop;
	(pc) =	sbr.rel @p0 .LBB2_1-.Ltmp3, $4  }
0x17f: {  	_ = 	snop  }
0x180: {  	_ =	swait.ge [sflag:s19], $0x4000  }
0x181: {  	[sflag:s19] =	ssyncset.done $0x0  }
0x182: {  	[sflag:s19] =	ssyncadd.s32 $0xFFFFC000  }
0x183: {  	_ =	sfence.sel $0x180000  }
0x184: {  	[bflag:$0x0] =	sbarrier.arrive $0xFFFF  }
0x185: {  	p0 =	sne.s32 s1, $0x0;
	_ =	strace $0x90000047  }
0x186: {  	s0 =	sadd.s32 @!p0 $0x100000, s0;
	[bflag:$0x2] =	sbarrier.arrive $0xFFFF  }
0x187: {  	[sflag:s0] =	ssyncadd.tile.s32 @!p0 $0x1;
	_ =	shalt  }
.Lfunc_end2:
_tile_overlayer_lowered:
.L_overlay_start_2:
0x188: {  	(tag) =	ssettag $0x2  }
0x189: {  	s0 =	rddreg [dreg:$0x0];
	s2 =	stileid.u32  }
0x18a: {  	s1 =	rddreg [dreg:$0x1];
	p0 =	sne.s32 s2, $0x0  }
0x18b: {  	s3 =	rddreg [dreg:$0x2];
	[bflag:$0x3] =	sbarrier.arrive $0xFFFF;
	s2 =	simm.s32 @!p0 $0x1C03  }
0x18c: {  	[timem:s3], [sflag:s2] =	dma.local @!p0 [hbm:s0], s1  }
0x18d: {  	s0 =	simm.s32 @!p0 $0x3  }
0x18e: {  	_ =	swait.ge @!p0 [sflag:s0], s1  }
0x18f: {  	s1 =	ssub.s32 @!p0 $0x0, s1;
	[sflag:s0] =	ssyncset.done @!p0 $0x0  }
0x190: {  	[sflag:s0] =	ssyncadd.s32 @!p0 s1  }
0x191: {  	[bflag:$0x3] =	sbarrier.arrive $0xFFFF  }
0x192: {  	_ =	shalt  }

</sc_bundles>
